<compile_context>
chip_gen: v7x
topology: tpu7x:2x2x1
jax: 0.10.2.dev20260603
libtpu: 0.0.44.dev20260713+nightly
codegen_flags: <defaults>
</compile_context>

<pallas_src>
import functools

import jax
import jax.numpy as jnp
from jax import lax
from jax.experimental import pallas as pl
from jax.experimental.pallas import tpu as pltpu
from jax.experimental.pallas import tpu_sc as plsc

_LANES = 16
_RB = 112


@functools.lru_cache(maxsize=None)
def _permute_cols(R, C, dtype_name):
    dtype = jnp.dtype(dtype_name)
    info = plsc.get_sparse_core_info()
    NC, NS = info.num_cores, info.num_subcores
    NW = NC * NS
    assert R % (NW * _RB) == 0
    assert C % _LANES == 0
    rows_per_w = R // NW
    n_blocks = rows_per_w // _RB
    n_cgrp = C // _LANES
    mesh = plsc.VectorSubcoreMesh(core_axis_name="c", subcore_axis_name="s")

    assert n_blocks % 2 == 0

    @functools.partial(
        pl.kernel,
        mesh=mesh,
        out_type=jax.ShapeDtypeStruct((R, C), dtype),
        compiler_params=pltpu.CompilerParams(needs_layout_passes=False),
        scratch_types=[
            pltpu.VMEM((C,), jnp.int32),
            pltpu.VMEM((_RB, C), dtype),
            pltpu.VMEM((_RB, C), dtype),
            pltpu.VMEM((_RB, C), dtype),
            pltpu.VMEM((_RB, C), dtype),
            pltpu.SemaphoreType.DMA,
            pltpu.SemaphoreType.DMA,
            pltpu.SemaphoreType.DMA,
            pltpu.SemaphoreType.DMA,
        ],
    )
    def k(x_hbm, perm_hbm, out_hbm, perm_v,
          ibuf0, ibuf1, obuf0, obuf1, si0, si1, so0, so1):
        wid = lax.axis_index("s") * NC + lax.axis_index("c")
        base = wid * rows_per_w
        pltpu.sync_copy(perm_hbm, perm_v)
        pvecs = [perm_v[pl.ds(j * _LANES, _LANES)] for j in range(n_cgrp)]
        ibufs, sis = (ibuf0, ibuf1), (si0, si1)
        obufs, sos = (obuf0, obuf1), (so0, so1)

        def start_in(i, buf, sem):
            pltpu.make_async_copy(
                x_hbm.at[pl.ds(base + i * _RB, _RB)], buf, sem).start()

        def compute(buf_in, buf_out):
            @plsc.parallel_loop(0, _RB, 1, unroll=4,
                                carry=jnp.zeros((_LANES,), jnp.int32))
            def _row(r, rvec):
                for j in range(n_cgrp):
                    g = plsc.load_gather(buf_in, [rvec, pvecs[j]])
                    buf_out[r, pl.ds(j * _LANES, _LANES)] = g
                return rvec + 1

        start_in(0, ibufs[0], sis[0])

        def pair(jp, carry):
            for b in range(2):
                i = 2 * jp + b
                @pl.when(i + 1 < n_blocks)
                def _():
                    start_in(i + 1, ibufs[1 - b], sis[1 - b])

                pltpu.make_async_copy(
                    x_hbm.at[pl.ds(base, _RB)], ibufs[b], sis[b]).wait()
                @pl.when(i >= 2)
                def _():
                    pltpu.make_async_copy(
                        obufs[b], out_hbm.at[pl.ds(base, _RB)], sos[b]).wait()

                compute(ibufs[b], obufs[b])
                pltpu.make_async_copy(
                    obufs[b], out_hbm.at[pl.ds(base + i * _RB, _RB)],
                    sos[b]).start()
            return carry

        lax.fori_loop(0, n_blocks // 2, pair, 0)
        for b in range(2):
            pltpu.make_async_copy(
                obufs[b], out_hbm.at[pl.ds(base, _RB)], sos[b]).wait()

    return k


def kernel(x, permutation):
    b, c, h, w = x.shape
    R = b * h * w
    xt = jnp.transpose(x, (0, 2, 3, 1)).reshape(R, c)
    zt = _permute_cols(R, c, x.dtype.name)(xt, permutation)
    z = jnp.transpose(zt.reshape(b, h, w, c), (0, 3, 1, 2))
    ldj = jnp.zeros((b,), x.dtype)
    return (z, ldj)

# --- scband reference (transcript-rebuilt; emitter-appended) ---
"""Pipeline reference for scband-permute-16020228014326 (READ-ONLY COPY).

The authoritative reference and input builder live on the scoring server;
editing this copy changes nothing except your own understanding.
"""

import jax, jax.numpy as jnp
import numpy as np


def setup_inputs(seed: int = 0) -> dict:
    key = jax.random.key(seed)
    x = jax.random.normal(key, (64, 192, 56, 56), dtype=jnp.float32)
    permutation = jnp.arange(191, -1, -1, dtype=jnp.int32)
    return {"x": x, "permutation": permutation}


def reference(x, permutation):
    # torch.index_select(x, dim=1, permutation)
    z = jnp.take(x, permutation, axis=1)
    # log-det-jacobian of a permutation is zero
    ldj = jnp.zeros(x.shape[0], dtype=x.dtype)
    return (z, ldj)

if __name__ == "__main__":
    import jax
    _d = setup_inputs()
    print(jax.jit(kernel)(*tuple(_d.values())))

</pallas_src>

<mosaic_0001>
#map = affine_map<(d0, d1) -> (0, 0)>
#map1 = affine_map<(d0, d1) -> (0)>
module attributes {stable_mosaic.version = 14 : i64} {
  func.func @k(%arg0: i32, %arg1: i32, %arg2: memref<200704x192xf32, #tpu.memory_space<hbm>>, %arg3: memref<192xi32, #tpu.memory_space<hbm>>, %arg4: memref<200704x192xf32, #tpu.memory_space<hbm>>, %arg5: memref<192xi32, #tpu.memory_space<vmem>>, %arg6: memref<112x192xf32, #tpu.memory_space<vmem>>, %arg7: memref<112x192xf32, #tpu.memory_space<vmem>>, %arg8: memref<112x192xf32, #tpu.memory_space<vmem>>, %arg9: memref<112x192xf32, #tpu.memory_space<vmem>>, %arg10: memref<!tpu.dma_semaphore, #tpu.memory_space<semaphore_mem>>, %arg11: memref<!tpu.dma_semaphore, #tpu.memory_space<semaphore_mem>>, %arg12: memref<!tpu.dma_semaphore, #tpu.memory_space<semaphore_mem>>, %arg13: memref<!tpu.dma_semaphore, #tpu.memory_space<semaphore_mem>>) attributes {dimension_semantics = [#tpu.dimension_semantics<core_parallel>, #tpu.dimension_semantics<subcore_parallel>], iteration_bounds = array<i64: 2, 16>, scalar_prefetch = 0 : i64, scratch_operands = 9 : i64, tpu.core_type = #tpu.core_type<sc_vector_subcore>, window_params = [{transform_indices = #map}, {transform_indices = #map1}, {transform_indices = #map}]} {
    %mul3A = arith.constant 2 : i32
    %mul3A_0 = arith.muli %arg1, %mul3A : i32
    %add3A = arith.addi %mul3A_0, %arg0 : i32
    %mul3A_1 = arith.constant 6272 : i32
    %mul3A_2 = arith.muli %add3A, %mul3A_1 : i32
    "tpu.region"() ({
      %run_scoped3A = tpu.sem_alloc : memref<!tpu.dma_semaphore, #tpu.memory_space<semaphore_mem>>
      tpu.enqueue_dma source(%arg3 : memref<192xi32, #tpu.memory_space<hbm>>) target(%arg5 : memref<192xi32, #tpu.memory_space<vmem>>) target_semaphore(%run_scoped3A : memref<!tpu.dma_semaphore, #tpu.memory_space<semaphore_mem>>)
      tpu.wait_dma2 semaphore(%run_scoped3A : memref<!tpu.dma_semaphore, #tpu.memory_space<semaphore_mem>>) src(%arg3 : memref<192xi32, #tpu.memory_space<hbm>>) dst(%arg5 : memref<192xi32, #tpu.memory_space<vmem>>)
      tpu.yield
    }) : () -> ()
    %get3A = arith.constant 0 : index
    %get3A_3 = tpu.vector_load %arg5[%get3A] {strides = array<i32>} : memref<192xi32, #tpu.memory_space<vmem>>, vector<16xi32>,
    %get3A_4 = arith.constant 16 : index
    %get3A_5 = tpu.vector_load %arg5[%get3A_4] {strides = array<i32>} : memref<192xi32, #tpu.memory_space<vmem>>, vector<16xi32>,
    %get3A_6 = arith.constant 32 : index
    %get3A_7 = tpu.vector_load %arg5[%get3A_6] {strides = array<i32>} : memref<192xi32, #tpu.memory_space<vmem>>, vector<16xi32>,
    %get3A_8 = arith.constant 48 : index
    %get3A_9 = tpu.vector_load %arg5[%get3A_8] {strides = array<i32>} : memref<192xi32, #tpu.memory_space<vmem>>, vector<16xi32>,
    %get3A_10 = arith.constant 64 : index
    %get3A_11 = tpu.vector_load %arg5[%get3A_10] {strides = array<i32>} : memref<192xi32, #tpu.memory_space<vmem>>, vector<16xi32>,
    %get3A_12 = arith.constant 80 : index
    %get3A_13 = tpu.vector_load %arg5[%get3A_12] {strides = array<i32>} : memref<192xi32, #tpu.memory_space<vmem>>, vector<16xi32>,
    %get3A_14 = arith.constant 96 : index
    %get3A_15 = tpu.vector_load %arg5[%get3A_14] {strides = array<i32>} : memref<192xi32, #tpu.memory_space<vmem>>, vector<16xi32>,
    %get3A_16 = arith.constant 112 : index
    %get3A_17 = tpu.vector_load %arg5[%get3A_16] {strides = array<i32>} : memref<192xi32, #tpu.memory_space<vmem>>, vector<16xi32>,
    %get3A_18 = arith.constant 128 : index
    %get3A_19 = tpu.vector_load %arg5[%get3A_18] {strides = array<i32>} : memref<192xi32, #tpu.memory_space<vmem>>, vector<16xi32>,
    %get3A_20 = arith.constant 144 : index
    %get3A_21 = tpu.vector_load %arg5[%get3A_20] {strides = array<i32>} : memref<192xi32, #tpu.memory_space<vmem>>, vector<16xi32>,
    %get3A_22 = arith.constant 160 : index
    %get3A_23 = tpu.vector_load %arg5[%get3A_22] {strides = array<i32>} : memref<192xi32, #tpu.memory_space<vmem>>, vector<16xi32>,
    %get3A_24 = arith.constant 176 : index
    %get3A_25 = tpu.vector_load %arg5[%get3A_24] {strides = array<i32>} : memref<192xi32, #tpu.memory_space<vmem>>, vector<16xi32>,
    %add3A_26 = arith.constant 0 : i32
    %add3A_27 = arith.addi %mul3A_2, %add3A_26 : i32
    %dma_start3A = arith.constant 0 : i32
    %dma_start3A_28 = tpu.memref_slice %arg2[%add3A_27, %dma_start3A] : memref<200704x192xf32, #tpu.memory_space<hbm>> -> memref<112x192xf32, #tpu.memory_space<hbm>>
    %dma_start3A_29 = arith.constant 0 : i32
    %dma_start3A_30 = tpu.memref_slice %arg2[%add3A_27, %dma_start3A_29] : memref<200704x192xf32, #tpu.memory_space<hbm>> -> memref<112x192xf32, #tpu.memory_space<hbm>>
    tpu.enqueue_dma source(%dma_start3A_30 : memref<112x192xf32, #tpu.memory_space<hbm>>) target(%arg6 : memref<112x192xf32, #tpu.memory_space<vmem>>) target_semaphore(%arg10 : memref<!tpu.dma_semaphore, #tpu.memory_space<semaphore_mem>>)
    %scan3A = arith.constant 0 : i32
    %scan3A_31 = arith.constant 0 : i32
    %scan3A_32 = arith.constant 28 : i32
    %scan3A_33 = arith.addi %scan3A_31, %scan3A_32 : i32
    %scan3A_34 = arith.constant 1 : i32
    scf.for %scan3A_43 = %scan3A_31 to %scan3A_33 step %scan3A_34  : i32 {
      %mul3A_44 = arith.constant 2 : i32
      %mul3A_45 = arith.muli %mul3A_44, %scan3A_43 : i32
      %add3A_46 = arith.constant 0 : i32
      %add3A_47 = arith.addi %mul3A_45, %add3A_46 : i32
      %add3A_48 = arith.constant 1 : i32
      %add3A_49 = arith.addi %add3A_47, %add3A_48 : i32
      %lt3A = arith.constant 56 : i32
      %lt3A_50 = arith.cmpi slt, %add3A_49, %lt3A : i32
      %convert_element_type3A = arith.extui %lt3A_50 : i1 to i32
      %cond3A = arith.constant 0 : i32
      %cond3A_51 = arith.cmpi ne, %convert_element_type3A, %cond3A : i32
      scf.if %cond3A_51 {
        %add3A_104 = arith.constant 1 : i32
        %add3A_105 = arith.addi %add3A_47, %add3A_104 : i32
        %mul3A_106 = arith.constant 112 : i32
        %mul3A_107 = arith.muli %add3A_105, %mul3A_106 : i32
        %add3A_108 = arith.addi %mul3A_2, %mul3A_107 : i32
        %dma_start3A_109 = arith.constant 0 : i32
        %dma_start3A_110 = tpu.memref_slice %arg2[%add3A_108, %dma_start3A_109] : memref<200704x192xf32, #tpu.memory_space<hbm>> -> memref<112x192xf32, #tpu.memory_space<hbm>>
        %dma_start3A_111 = arith.constant 0 : i32
        %dma_start3A_112 = tpu.memref_slice %arg2[%add3A_108, %dma_start3A_111] : memref<200704x192xf32, #tpu.memory_space<hbm>> -> memref<112x192xf32, #tpu.memory_space<hbm>>
        tpu.enqueue_dma source(%dma_start3A_112 : memref<112x192xf32, #tpu.memory_space<hbm>>) target(%arg7 : memref<112x192xf32, #tpu.memory_space<vmem>>) target_semaphore(%arg11 : memref<!tpu.dma_semaphore, #tpu.memory_space<semaphore_mem>>)
      } else {
      }
      %dma_wait3A_52 = arith.constant 0 : i32
      %dma_wait3A_53 = tpu.memref_slice %arg2[%mul3A_2, %dma_wait3A_52] : memref<200704x192xf32, #tpu.memory_space<hbm>> -> memref<112x192xf32, #tpu.memory_space<hbm>>
      %dma_wait3A_54 = arith.constant 0 : i32
      %dma_wait3A_55 = tpu.memref_slice %arg2[%mul3A_2, %dma_wait3A_54] : memref<200704x192xf32, #tpu.memory_space<hbm>> -> memref<112x192xf32, #tpu.memory_space<hbm>>
      tpu.wait_dma2 semaphore(%arg10 : memref<!tpu.dma_semaphore, #tpu.memory_space<semaphore_mem>>) src(%dma_wait3A_55 : memref<112x192xf32, #tpu.memory_space<hbm>>) dst(%arg6 : memref<112x192xf32, #tpu.memory_space<vmem>>)
      %ge3A = arith.constant 2 : i32
      %ge3A_56 = arith.cmpi sge, %add3A_47, %ge3A : i32
      %convert_element_type3A_57 = arith.extui %ge3A_56 : i1 to i32
      %cond3A_58 = arith.constant 0 : i32
      %cond3A_59 = arith.cmpi ne, %convert_element_type3A_57, %cond3A_58 : i32
      scf.if %cond3A_59 {
        %dma_wait3A_104 = arith.constant 0 : i32
        %dma_wait3A_105 = tpu.memref_slice %arg4[%mul3A_2, %dma_wait3A_104] : memref<200704x192xf32, #tpu.memory_space<hbm>> -> memref<112x192xf32, #tpu.memory_space<hbm>>
        %dma_wait3A_106 = arith.constant 0 : i32
        %dma_wait3A_107 = tpu.memref_slice %arg4[%mul3A_2, %dma_wait3A_106] : memref<200704x192xf32, #tpu.memory_space<hbm>> -> memref<112x192xf32, #tpu.memory_space<hbm>>
        tpu.wait_dma2 semaphore(%arg12 : memref<!tpu.dma_semaphore, #tpu.memory_space<semaphore_mem>>) src(%arg8 : memref<112x192xf32, #tpu.memory_space<vmem>>) dst(%dma_wait3A_107 : memref<112x192xf32, #tpu.memory_space<hbm>>)
      } else {
      }
      %broadcast_in_dim3A = arith.constant 0 : i32
      %broadcast_in_dim3A_60 = vector.broadcast %broadcast_in_dim3A : i32 to vector<16xi32>
      %parallel_loop3A = arith.constant 0 : i32
      %parallel_loop3A_61 = arith.constant 112 : i32
      %parallel_loop3A_62 = arith.constant 1 : i32
      %parallel_loop3A_63 = scf.for %parallel_loop3A_104 = %parallel_loop3A to %parallel_loop3A_61 step %parallel_loop3A_62 iter_args(%parallel_loop3A_105 = %broadcast_in_dim3A_60) -> (vector<16xi32>)  : i32 {
        %parallel_loop3A_106 = tpu.vector_load_idx %arg6[%parallel_loop3A_105, %get3A_3] : memref<112x192xf32, #tpu.memory_space<vmem>>[vector<16xi32>, vector<16xi32>], vector<16xf32>,
        %parallel_loop3A_107 = arith.index_cast %parallel_loop3A_104 : i32 to index
        %parallel_loop3A_108 = arith.constant 0 : index
        %parallel_loop3A_109 = tpu.vector_load %arg8[%parallel_loop3A_107, %parallel_loop3A_108] {strides = array<i32>} : memref<112x192xf32, #tpu.memory_space<vmem>>, vector<16xf32>,
        tpu.vector_store %arg8[%parallel_loop3A_107, %parallel_loop3A_108], %parallel_loop3A_106 {strides = array<i32>} : memref<112x192xf32, #tpu.memory_space<vmem>>, vector<16xf32>,
        %parallel_loop3A_110 = tpu.vector_load_idx %arg6[%parallel_loop3A_105, %get3A_5] : memref<112x192xf32, #tpu.memory_space<vmem>>[vector<16xi32>, vector<16xi32>], vector<16xf32>,
        %parallel_loop3A_111 = arith.index_cast %parallel_loop3A_104 : i32 to index
        %parallel_loop3A_112 = arith.constant 16 : index
        %parallel_loop3A_113 = tpu.vector_load %arg8[%parallel_loop3A_111, %parallel_loop3A_112] {strides = array<i32>} : memref<112x192xf32, #tpu.memory_space<vmem>>, vector<16xf32>,
        tpu.vector_store %arg8[%parallel_loop3A_111, %parallel_loop3A_112], %parallel_loop3A_110 {strides = array<i32>} : memref<112x192xf32, #tpu.memory_space<vmem>>, vector<16xf32>,
        %parallel_loop3A_114 = tpu.vector_load_idx %arg6[%parallel_loop3A_105, %get3A_7] : memref<112x192xf32, #tpu.memory_space<vmem>>[vector<16xi32>, vector<16xi32>], vector<16xf32>,
        %parallel_loop3A_115 = arith.index_cast %parallel_loop3A_104 : i32 to index
        %parallel_loop3A_116 = arith.constant 32 : index
        %parallel_loop3A_117 = tpu.vector_load %arg8[%parallel_loop3A_115, %parallel_loop3A_116] {strides = array<i32>} : memref<112x192xf32, #tpu.memory_space<vmem>>, vector<16xf32>,
        tpu.vector_store %arg8[%parallel_loop3A_115, %parallel_loop3A_116], %parallel_loop3A_114 {strides = array<i32>} : memref<112x192xf32, #tpu.memory_space<vmem>>, vector<16xf32>,
        %parallel_loop3A_118 = tpu.vector_load_idx %arg6[%parallel_loop3A_105, %get3A_9] : memref<112x192xf32, #tpu.memory_space<vmem>>[vector<16xi32>, vector<16xi32>], vector<16xf32>,
        %parallel_loop3A_119 = arith.index_cast %parallel_loop3A_104 : i32 to index
        %parallel_loop3A_120 = arith.constant 48 : index
        %parallel_loop3A_121 = tpu.vector_load %arg8[%parallel_loop3A_119, %parallel_loop3A_120] {strides = array<i32>} : memref<112x192xf32, #tpu.memory_space<vmem>>, vector<16xf32>,
        tpu.vector_store %arg8[%parallel_loop3A_119, %parallel_loop3A_120], %parallel_loop3A_118 {strides = array<i32>} : memref<112x192xf32, #tpu.memory_space<vmem>>, vector<16xf32>,
        %parallel_loop3A_122 = tpu.vector_load_idx %arg6[%parallel_loop3A_105, %get3A_11] : memref<112x192xf32, #tpu.memory_space<vmem>>[vector<16xi32>, vector<16xi32>], vector<16xf32>,
        %parallel_loop3A_123 = arith.index_cast %parallel_loop3A_104 : i32 to index
        %parallel_loop3A_124 = arith.constant 64 : index
        %parallel_loop3A_125 = tpu.vector_load %arg8[%parallel_loop3A_123, %parallel_loop3A_124] {strides = array<i32>} : memref<112x192xf32, #tpu.memory_space<vmem>>, vector<16xf32>,
        tpu.vector_store %arg8[%parallel_loop3A_123, %parallel_loop3A_124], %parallel_loop3A_122 {strides = array<i32>} : memref<112x192xf32, #tpu.memory_space<vmem>>, vector<16xf32>,
        %parallel_loop3A_126 = tpu.vector_load_idx %arg6[%parallel_loop3A_105, %get3A_13] : memref<112x192xf32, #tpu.memory_space<vmem>>[vector<16xi32>, vector<16xi32>], vector<16xf32>,
        %parallel_loop3A_127 = arith.index_cast %parallel_loop3A_104 : i32 to index
        %parallel_loop3A_128 = arith.constant 80 : index
        %parallel_loop3A_129 = tpu.vector_load %arg8[%parallel_loop3A_127, %parallel_loop3A_128] {strides = array<i32>} : memref<112x192xf32, #tpu.memory_space<vmem>>, vector<16xf32>,
        tpu.vector_store %arg8[%parallel_loop3A_127, %parallel_loop3A_128], %parallel_loop3A_126 {strides = array<i32>} : memref<112x192xf32, #tpu.memory_space<vmem>>, vector<16xf32>,
        %parallel_loop3A_130 = tpu.vector_load_idx %arg6[%parallel_loop3A_105, %get3A_15] : memref<112x192xf32, #tpu.memory_space<vmem>>[vector<16xi32>, vector<16xi32>], vector<16xf32>,
        %parallel_loop3A_131 = arith.index_cast %parallel_loop3A_104 : i32 to index
        %parallel_loop3A_132 = arith.constant 96 : index
        %parallel_loop3A_133 = tpu.vector_load %arg8[%parallel_loop3A_131, %parallel_loop3A_132] {strides = array<i32>} : memref<112x192xf32, #tpu.memory_space<vmem>>, vector<16xf32>,
        tpu.vector_store %arg8[%parallel_loop3A_131, %parallel_loop3A_132], %parallel_loop3A_130 {strides = array<i32>} : memref<112x192xf32, #tpu.memory_space<vmem>>, vector<16xf32>,
        %parallel_loop3A_134 = tpu.vector_load_idx %arg6[%parallel_loop3A_105, %get3A_17] : memref<112x192xf32, #tpu.memory_space<vmem>>[vector<16xi32>, vector<16xi32>], vector<16xf32>,
        %parallel_loop3A_135 = arith.index_cast %parallel_loop3A_104 : i32 to index
        %parallel_loop3A_136 = arith.constant 112 : index
        %parallel_loop3A_137 = tpu.vector_load %arg8[%parallel_loop3A_135, %parallel_loop3A_136] {strides = array<i32>} : memref<112x192xf32, #tpu.memory_space<vmem>>, vector<16xf32>,
        tpu.vector_store %arg8[%parallel_loop3A_135, %parallel_loop3A_136], %parallel_loop3A_134 {strides = array<i32>} : memref<112x192xf32, #tpu.memory_space<vmem>>, vector<16xf32>,
        %parallel_loop3A_138 = tpu.vector_load_idx %arg6[%parallel_loop3A_105, %get3A_19] : memref<112x192xf32, #tpu.memory_space<vmem>>[vector<16xi32>, vector<16xi32>], vector<16xf32>,
        %parallel_loop3A_139 = arith.index_cast %parallel_loop3A_104 : i32 to index
        %parallel_loop3A_140 = arith.constant 128 : index
        %parallel_loop3A_141 = tpu.vector_load %arg8[%parallel_loop3A_139, %parallel_loop3A_140] {strides = array<i32>} : memref<112x192xf32, #tpu.memory_space<vmem>>, vector<16xf32>,
        tpu.vector_store %arg8[%parallel_loop3A_139, %parallel_loop3A_140], %parallel_loop3A_138 {strides = array<i32>} : memref<112x192xf32, #tpu.memory_space<vmem>>, vector<16xf32>,
        %parallel_loop3A_142 = tpu.vector_load_idx %arg6[%parallel_loop3A_105, %get3A_21] : memref<112x192xf32, #tpu.memory_space<vmem>>[vector<16xi32>, vector<16xi32>], vector<16xf32>,
        %parallel_loop3A_143 = arith.index_cast %parallel_loop3A_104 : i32 to index
        %parallel_loop3A_144 = arith.constant 144 : index
        %parallel_loop3A_145 = tpu.vector_load %arg8[%parallel_loop3A_143, %parallel_loop3A_144] {strides = array<i32>} : memref<112x192xf32, #tpu.memory_space<vmem>>, vector<16xf32>,
        tpu.vector_store %arg8[%parallel_loop3A_143, %parallel_loop3A_144], %parallel_loop3A_142 {strides = array<i32>} : memref<112x192xf32, #tpu.memory_space<vmem>>, vector<16xf32>,
        %parallel_loop3A_146 = tpu.vector_load_idx %arg6[%parallel_loop3A_105, %get3A_23] : memref<112x192xf32, #tpu.memory_space<vmem>>[vector<16xi32>, vector<16xi32>], vector<16xf32>,
        %parallel_loop3A_147 = arith.index_cast %parallel_loop3A_104 : i32 to index
        %parallel_loop3A_148 = arith.constant 160 : index
        %parallel_loop3A_149 = tpu.vector_load %arg8[%parallel_loop3A_147, %parallel_loop3A_148] {strides = array<i32>} : memref<112x192xf32, #tpu.memory_space<vmem>>, vector<16xf32>,
        tpu.vector_store %arg8[%parallel_loop3A_147, %parallel_loop3A_148], %parallel_loop3A_146 {strides = array<i32>} : memref<112x192xf32, #tpu.memory_space<vmem>>, vector<16xf32>,
        %parallel_loop3A_150 = tpu.vector_load_idx %arg6[%parallel_loop3A_105, %get3A_25] : memref<112x192xf32, #tpu.memory_space<vmem>>[vector<16xi32>, vector<16xi32>], vector<16xf32>,
        %parallel_loop3A_151 = arith.index_cast %parallel_loop3A_104 : i32 to index
        %parallel_loop3A_152 = arith.constant 176 : index
        %parallel_loop3A_153 = tpu.vector_load %arg8[%parallel_loop3A_151, %parallel_loop3A_152] {strides = array<i32>} : memref<112x192xf32, #tpu.memory_space<vmem>>, vector<16xf32>,
        tpu.vector_store %arg8[%parallel_loop3A_151, %parallel_loop3A_152], %parallel_loop3A_150 {strides = array<i32>} : memref<112x192xf32, #tpu.memory_space<vmem>>, vector<16xf32>,
        %parallel_loop3A_154 = arith.constant 1 : i32
        %parallel_loop3A_155 = vector.broadcast %parallel_loop3A_154 : i32 to vector<16xi32>
        %parallel_loop3A_156 = arith.addi %parallel_loop3A_105, %parallel_loop3A_155 : vector<16xi32>
        scf.yield %parallel_loop3A_156 : vector<16xi32>
      } {sc.loop_unroll_factor = 4 : i64, sc.parallel_access}
      %mul3A_64 = arith.constant 112 : i32
      %mul3A_65 = arith.muli %add3A_47, %mul3A_64 : i32
      %add3A_66 = arith.addi %mul3A_2, %mul3A_65 : i32
      %dma_start3A_67 = arith.constant 0 : i32
      %dma_start3A_68 = tpu.memref_slice %arg4[%add3A_66, %dma_start3A_67] : memref<200704x192xf32, #tpu.memory_space<hbm>> -> memref<112x192xf32, #tpu.memory_space<hbm>>
      %dma_start3A_69 = arith.constant 0 : i32
      %dma_start3A_70 = tpu.memref_slice %arg4[%add3A_66, %dma_start3A_69] : memref<200704x192xf32, #tpu.memory_space<hbm>> -> memref<112x192xf32, #tpu.memory_space<hbm>>
      tpu.enqueue_dma source(%arg8 : memref<112x192xf32, #tpu.memory_space<vmem>>) target(%dma_start3A_70 : memref<112x192xf32, #tpu.memory_space<hbm>>) target_semaphore(%arg12 : memref<!tpu.dma_semaphore, #tpu.memory_space<semaphore_mem>>)
      %mul3A_71 = arith.constant 2 : i32
      %mul3A_72 = arith.muli %mul3A_71, %scan3A_43 : i32
      %add3A_73 = arith.constant 1 : i32
      %add3A_74 = arith.addi %mul3A_72, %add3A_73 : i32
      %add3A_75 = arith.constant 1 : i32
      %add3A_76 = arith.addi %add3A_74, %add3A_75 : i32
      %lt3A_77 = arith.constant 56 : i32
      %lt3A_78 = arith.cmpi slt, %add3A_76, %lt3A_77 : i32
      %convert_element_type3A_79 = arith.extui %lt3A_78 : i1 to i32
      %cond3A_80 = arith.constant 0 : i32
      %cond3A_81 = arith.cmpi ne, %convert_element_type3A_79, %cond3A_80 : i32
      scf.if %cond3A_81 {
        %add3A_104 = arith.constant 1 : i32
        %add3A_105 = arith.addi %add3A_74, %add3A_104 : i32
        %mul3A_106 = arith.constant 112 : i32
        %mul3A_107 = arith.muli %add3A_105, %mul3A_106 : i32
        %add3A_108 = arith.addi %mul3A_2, %mul3A_107 : i32
        %dma_start3A_109 = arith.constant 0 : i32
        %dma_start3A_110 = tpu.memref_slice %arg2[%add3A_108, %dma_start3A_109] : memref<200704x192xf32, #tpu.memory_space<hbm>> -> memref<112x192xf32, #tpu.memory_space<hbm>>
        %dma_start3A_111 = arith.constant 0 : i32
        %dma_start3A_112 = tpu.memref_slice %arg2[%add3A_108, %dma_start3A_111] : memref<200704x192xf32, #tpu.memory_space<hbm>> -> memref<112x192xf32, #tpu.memory_space<hbm>>
        tpu.enqueue_dma source(%dma_start3A_112 : memref<112x192xf32, #tpu.memory_space<hbm>>) target(%arg6 : memref<112x192xf32, #tpu.memory_space<vmem>>) target_semaphore(%arg10 : memref<!tpu.dma_semaphore, #tpu.memory_space<semaphore_mem>>)
      } else {
      }
      %dma_wait3A_82 = arith.constant 0 : i32
      %dma_wait3A_83 = tpu.memref_slice %arg2[%mul3A_2, %dma_wait3A_82] : memref<200704x192xf32, #tpu.memory_space<hbm>> -> memref<112x192xf32, #tpu.memory_space<hbm>>
      %dma_wait3A_84 = arith.constant 0 : i32
      %dma_wait3A_85 = tpu.memref_slice %arg2[%mul3A_2, %dma_wait3A_84] : memref<200704x192xf32, #tpu.memory_space<hbm>> -> memref<112x192xf32, #tpu.memory_space<hbm>>
      tpu.wait_dma2 semaphore(%arg11 : memref<!tpu.dma_semaphore, #tpu.memory_space<semaphore_mem>>) src(%dma_wait3A_85 : memref<112x192xf32, #tpu.memory_space<hbm>>) dst(%arg7 : memref<112x192xf32, #tpu.memory_space<vmem>>)
      %ge3A_86 = arith.constant 2 : i32
      %ge3A_87 = arith.cmpi sge, %add3A_74, %ge3A_86 : i32
      %convert_element_type3A_88 = arith.extui %ge3A_87 : i1 to i32
      %cond3A_89 = arith.constant 0 : i32
      %cond3A_90 = arith.cmpi ne, %convert_element_type3A_88, %cond3A_89 : i32
      scf.if %cond3A_90 {
        %dma_wait3A_104 = arith.constant 0 : i32
        %dma_wait3A_105 = tpu.memref_slice %arg4[%mul3A_2, %dma_wait3A_104] : memref<200704x192xf32, #tpu.memory_space<hbm>> -> memref<112x192xf32, #tpu.memory_space<hbm>>
        %dma_wait3A_106 = arith.constant 0 : i32
        %dma_wait3A_107 = tpu.memref_slice %arg4[%mul3A_2, %dma_wait3A_106] : memref<200704x192xf32, #tpu.memory_space<hbm>> -> memref<112x192xf32, #tpu.memory_space<hbm>>
        tpu.wait_dma2 semaphore(%arg13 : memref<!tpu.dma_semaphore, #tpu.memory_space<semaphore_mem>>) src(%arg9 : memref<112x192xf32, #tpu.memory_space<vmem>>) dst(%dma_wait3A_107 : memref<112x192xf32, #tpu.memory_space<hbm>>)
      } else {
      }
      %broadcast_in_dim3A_91 = arith.constant 0 : i32
      %broadcast_in_dim3A_92 = vector.broadcast %broadcast_in_dim3A_91 : i32 to vector<16xi32>
      %parallel_loop3A_93 = arith.constant 0 : i32
      %parallel_loop3A_94 = arith.constant 112 : i32
      %parallel_loop3A_95 = arith.constant 1 : i32
      %parallel_loop3A_96 = scf.for %parallel_loop3A_104 = %parallel_loop3A_93 to %parallel_loop3A_94 step %parallel_loop3A_95 iter_args(%parallel_loop3A_105 = %broadcast_in_dim3A_92) -> (vector<16xi32>)  : i32 {
        %parallel_loop3A_106 = tpu.vector_load_idx %arg7[%parallel_loop3A_105, %get3A_3] : memref<112x192xf32, #tpu.memory_space<vmem>>[vector<16xi32>, vector<16xi32>], vector<16xf32>,
        %parallel_loop3A_107 = arith.index_cast %parallel_loop3A_104 : i32 to index
        %parallel_loop3A_108 = arith.constant 0 : index
        %parallel_loop3A_109 = tpu.vector_load %arg9[%parallel_loop3A_107, %parallel_loop3A_108] {strides = array<i32>} : memref<112x192xf32, #tpu.memory_space<vmem>>, vector<16xf32>,
        tpu.vector_store %arg9[%parallel_loop3A_107, %parallel_loop3A_108], %parallel_loop3A_106 {strides = array<i32>} : memref<112x192xf32, #tpu.memory_space<vmem>>, vector<16xf32>,
        %parallel_loop3A_110 = tpu.vector_load_idx %arg7[%parallel_loop3A_105, %get3A_5] : memref<112x192xf32, #tpu.memory_space<vmem>>[vector<16xi32>, vector<16xi32>], vector<16xf32>,
        %parallel_loop3A_111 = arith.index_cast %parallel_loop3A_104 : i32 to index
        %parallel_loop3A_112 = arith.constant 16 : index
        %parallel_loop3A_113 = tpu.vector_load %arg9[%parallel_loop3A_111, %parallel_loop3A_112] {strides = array<i32>} : memref<112x192xf32, #tpu.memory_space<vmem>>, vector<16xf32>,
        tpu.vector_store %arg9[%parallel_loop3A_111, %parallel_loop3A_112], %parallel_loop3A_110 {strides = array<i32>} : memref<112x192xf32, #tpu.memory_space<vmem>>, vector<16xf32>,
        %parallel_loop3A_114 = tpu.vector_load_idx %arg7[%parallel_loop3A_105, %get3A_7] : memref<112x192xf32, #tpu.memory_space<vmem>>[vector<16xi32>, vector<16xi32>], vector<16xf32>,
        %parallel_loop3A_115 = arith.index_cast %parallel_loop3A_104 : i32 to index
        %parallel_loop3A_116 = arith.constant 32 : index
        %parallel_loop3A_117 = tpu.vector_load %arg9[%parallel_loop3A_115, %parallel_loop3A_116] {strides = array<i32>} : memref<112x192xf32, #tpu.memory_space<vmem>>, vector<16xf32>,
        tpu.vector_store %arg9[%parallel_loop3A_115, %parallel_loop3A_116], %parallel_loop3A_114 {strides = array<i32>} : memref<112x192xf32, #tpu.memory_space<vmem>>, vector<16xf32>,
        %parallel_loop3A_118 = tpu.vector_load_idx %arg7[%parallel_loop3A_105, %get3A_9] : memref<112x192xf32, #tpu.memory_space<vmem>>[vector<16xi32>, vector<16xi32>], vector<16xf32>,
        %parallel_loop3A_119 = arith.index_cast %parallel_loop3A_104 : i32 to index
        %parallel_loop3A_120 = arith.constant 48 : index
        %parallel_loop3A_121 = tpu.vector_load %arg9[%parallel_loop3A_119, %parallel_loop3A_120] {strides = array<i32>} : memref<112x192xf32, #tpu.memory_space<vmem>>, vector<16xf32>,
        tpu.vector_store %arg9[%parallel_loop3A_119, %parallel_loop3A_120], %parallel_loop3A_118 {strides = array<i32>} : memref<112x192xf32, #tpu.memory_space<vmem>>, vector<16xf32>,
        %parallel_loop3A_122 = tpu.vector_load_idx %arg7[%parallel_loop3A_105, %get3A_11] : memref<112x192xf32, #tpu.memory_space<vmem>>[vector<16xi32>, vector<16xi32>], vector<16xf32>,
        %parallel_loop3A_123 = arith.index_cast %parallel_loop3A_104 : i32 to index
        %parallel_loop3A_124 = arith.constant 64 : index
        %parallel_loop3A_125 = tpu.vector_load %arg9[%parallel_loop3A_123, %parallel_loop3A_124] {strides = array<i32>} : memref<112x192xf32, #tpu.memory_space<vmem>>, vector<16xf32>,
        tpu.vector_store %arg9[%parallel_loop3A_123, %parallel_loop3A_124], %parallel_loop3A_122 {strides = array<i32>} : memref<112x192xf32, #tpu.memory_space<vmem>>, vector<16xf32>,
        %parallel_loop3A_126 = tpu.vector_load_idx %arg7[%parallel_loop3A_105, %get3A_13] : memref<112x192xf32, #tpu.memory_space<vmem>>[vector<16xi32>, vector<16xi32>], vector<16xf32>,
        %parallel_loop3A_127 = arith.index_cast %parallel_loop3A_104 : i32 to index
        %parallel_loop3A_128 = arith.constant 80 : index
        %parallel_loop3A_129 = tpu.vector_load %arg9[%parallel_loop3A_127, %parallel_loop3A_128] {strides = array<i32>} : memref<112x192xf32, #tpu.memory_space<vmem>>, vector<16xf32>,
        tpu.vector_store %arg9[%parallel_loop3A_127, %parallel_loop3A_128], %parallel_loop3A_126 {strides = array<i32>} : memref<112x192xf32, #tpu.memory_space<vmem>>, vector<16xf32>,
        %parallel_loop3A_130 = tpu.vector_load_idx %arg7[%parallel_loop3A_105, %get3A_15] : memref<112x192xf32, #tpu.memory_space<vmem>>[vector<16xi32>, vector<16xi32>], vector<16xf32>,
        %parallel_loop3A_131 = arith.index_cast %parallel_loop3A_104 : i32 to index
        %parallel_loop3A_132 = arith.constant 96 : index
        %parallel_loop3A_133 = tpu.vector_load %arg9[%parallel_loop3A_131, %parallel_loop3A_132] {strides = array<i32>} : memref<112x192xf32, #tpu.memory_space<vmem>>, vector<16xf32>,
        tpu.vector_store %arg9[%parallel_loop3A_131, %parallel_loop3A_132], %parallel_loop3A_130 {strides = array<i32>} : memref<112x192xf32, #tpu.memory_space<vmem>>, vector<16xf32>,
        %parallel_loop3A_134 = tpu.vector_load_idx %arg7[%parallel_loop3A_105, %get3A_17] : memref<112x192xf32, #tpu.memory_space<vmem>>[vector<16xi32>, vector<16xi32>], vector<16xf32>,
        %parallel_loop3A_135 = arith.index_cast %parallel_loop3A_104 : i32 to index
        %parallel_loop3A_136 = arith.constant 112 : index
        %parallel_loop3A_137 = tpu.vector_load %arg9[%parallel_loop3A_135, %parallel_loop3A_136] {strides = array<i32>} : memref<112x192xf32, #tpu.memory_space<vmem>>, vector<16xf32>,
        tpu.vector_store %arg9[%parallel_loop3A_135, %parallel_loop3A_136], %parallel_loop3A_134 {strides = array<i32>} : memref<112x192xf32, #tpu.memory_space<vmem>>, vector<16xf32>,
        %parallel_loop3A_138 = tpu.vector_load_idx %arg7[%parallel_loop3A_105, %get3A_19] : memref<112x192xf32, #tpu.memory_space<vmem>>[vector<16xi32>, vector<16xi32>], vector<16xf32>,
        %parallel_loop3A_139 = arith.index_cast %parallel_loop3A_104 : i32 to index
        %parallel_loop3A_140 = arith.constant 128 : index
        %parallel_loop3A_141 = tpu.vector_load %arg9[%parallel_loop3A_139, %parallel_loop3A_140] {strides = array<i32>} : memref<112x192xf32, #tpu.memory_space<vmem>>, vector<16xf32>,
        tpu.vector_store %arg9[%parallel_loop3A_139, %parallel_loop3A_140], %parallel_loop3A_138 {strides = array<i32>} : memref<112x192xf32, #tpu.memory_space<vmem>>, vector<16xf32>,
        %parallel_loop3A_142 = tpu.vector_load_idx %arg7[%parallel_loop3A_105, %get3A_21] : memref<112x192xf32, #tpu.memory_space<vmem>>[vector<16xi32>, vector<16xi32>], vector<16xf32>,
        %parallel_loop3A_143 = arith.index_cast %parallel_loop3A_104 : i32 to index
        %parallel_loop3A_144 = arith.constant 144 : index
        %parallel_loop3A_145 = tpu.vector_load %arg9[%parallel_loop3A_143, %parallel_loop3A_144] {strides = array<i32>} : memref<112x192xf32, #tpu.memory_space<vmem>>, vector<16xf32>,
        tpu.vector_store %arg9[%parallel_loop3A_143, %parallel_loop3A_144], %parallel_loop3A_142 {strides = array<i32>} : memref<112x192xf32, #tpu.memory_space<vmem>>, vector<16xf32>,
        %parallel_loop3A_146 = tpu.vector_load_idx %arg7[%parallel_loop3A_105, %get3A_23] : memref<112x192xf32, #tpu.memory_space<vmem>>[vector<16xi32>, vector<16xi32>], vector<16xf32>,
        %parallel_loop3A_147 = arith.index_cast %parallel_loop3A_104 : i32 to index
        %parallel_loop3A_148 = arith.constant 160 : index
        %parallel_loop3A_149 = tpu.vector_load %arg9[%parallel_loop3A_147, %parallel_loop3A_148] {strides = array<i32>} : memref<112x192xf32, #tpu.memory_space<vmem>>, vector<16xf32>,
        tpu.vector_store %arg9[%parallel_loop3A_147, %parallel_loop3A_148], %parallel_loop3A_146 {strides = array<i32>} : memref<112x192xf32, #tpu.memory_space<vmem>>, vector<16xf32>,
        %parallel_loop3A_150 = tpu.vector_load_idx %arg7[%parallel_loop3A_105, %get3A_25] : memref<112x192xf32, #tpu.memory_space<vmem>>[vector<16xi32>, vector<16xi32>], vector<16xf32>,
        %parallel_loop3A_151 = arith.index_cast %parallel_loop3A_104 : i32 to index
        %parallel_loop3A_152 = arith.constant 176 : index
        %parallel_loop3A_153 = tpu.vector_load %arg9[%parallel_loop3A_151, %parallel_loop3A_152] {strides = array<i32>} : memref<112x192xf32, #tpu.memory_space<vmem>>, vector<16xf32>,
        tpu.vector_store %arg9[%parallel_loop3A_151, %parallel_loop3A_152], %parallel_loop3A_150 {strides = array<i32>} : memref<112x192xf32, #tpu.memory_space<vmem>>, vector<16xf32>,
        %parallel_loop3A_154 = arith.constant 1 : i32
        %parallel_loop3A_155 = vector.broadcast %parallel_loop3A_154 : i32 to vector<16xi32>
        %parallel_loop3A_156 = arith.addi %parallel_loop3A_105, %parallel_loop3A_155 : vector<16xi32>
        scf.yield %parallel_loop3A_156 : vector<16xi32>
      } {sc.loop_unroll_factor = 4 : i64, sc.parallel_access}
      %mul3A_97 = arith.constant 112 : i32
      %mul3A_98 = arith.muli %add3A_74, %mul3A_97 : i32
      %add3A_99 = arith.addi %mul3A_2, %mul3A_98 : i32
      %dma_start3A_100 = arith.constant 0 : i32
      %dma_start3A_101 = tpu.memref_slice %arg4[%add3A_99, %dma_start3A_100] : memref<200704x192xf32, #tpu.memory_space<hbm>> -> memref<112x192xf32, #tpu.memory_space<hbm>>
      %dma_start3A_102 = arith.constant 0 : i32
      %dma_start3A_103 = tpu.memref_slice %arg4[%add3A_99, %dma_start3A_102] : memref<200704x192xf32, #tpu.memory_space<hbm>> -> memref<112x192xf32, #tpu.memory_space<hbm>>
      tpu.enqueue_dma source(%arg9 : memref<112x192xf32, #tpu.memory_space<vmem>>) target(%dma_start3A_103 : memref<112x192xf32, #tpu.memory_space<hbm>>) target_semaphore(%arg13 : memref<!tpu.dma_semaphore, #tpu.memory_space<semaphore_mem>>)
    }
    %scan3A_35 = arith.constant 28 : i32
    %dma_wait3A = arith.constant 0 : i32
    %dma_wait3A_36 = tpu.memref_slice %arg4[%mul3A_2, %dma_wait3A] : memref<200704x192xf32, #tpu.memory_space<hbm>> -> memref<112x192xf32, #tpu.memory_space<hbm>>
    %dma_wait3A_37 = arith.constant 0 : i32
    %dma_wait3A_38 = tpu.memref_slice %arg4[%mul3A_2, %dma_wait3A_37] : memref<200704x192xf32, #tpu.memory_space<hbm>> -> memref<112x192xf32, #tpu.memory_space<hbm>>
    tpu.wait_dma2 semaphore(%arg12 : memref<!tpu.dma_semaphore, #tpu.memory_space<semaphore_mem>>) src(%arg8 : memref<112x192xf32, #tpu.memory_space<vmem>>) dst(%dma_wait3A_38 : memref<112x192xf32, #tpu.memory_space<hbm>>)
    %dma_wait3A_39 = arith.constant 0 : i32
    %dma_wait3A_40 = tpu.memref_slice %arg4[%mul3A_2, %dma_wait3A_39] : memref<200704x192xf32, #tpu.memory_space<hbm>> -> memref<112x192xf32, #tpu.memory_space<hbm>>
    %dma_wait3A_41 = arith.constant 0 : i32
    %dma_wait3A_42 = tpu.memref_slice %arg4[%mul3A_2, %dma_wait3A_41] : memref<200704x192xf32, #tpu.memory_space<hbm>> -> memref<112x192xf32, #tpu.memory_space<hbm>>
    tpu.wait_dma2 semaphore(%arg13 : memref<!tpu.dma_semaphore, #tpu.memory_space<semaphore_mem>>) src(%arg9 : memref<112x192xf32, #tpu.memory_space<vmem>>) dst(%dma_wait3A_42 : memref<112x192xf32, #tpu.memory_space<hbm>>)
    return
  }
}

</mosaic_0001>

<sc_bundles>
// kernel: kernel.3.cloned.1.call-start
scs
__scs_entry_jumppad:
0x0: {  	(pc) =	sbr.rel $0x88, $3  }
0x1: {  	(tag) =	ssettag $0x0;
	lr =	simm.s32 $0x1  }
0x2: {  	[smem:$0x3F9F] =	sst lr;
	_ =	strace $0xD0000000  }
0x3: {  	_ = 	snop  }
0x4: {  	_ = 	snop  }
0x5: {  	_ = 	snop  }
0x6: {  	_ = 	snop  }
0x7: {  	_ = 	snop  }
__scs_overlays_trampoline_lowered:
0x8: {  	[smem:$0x3FAE] =	sst s0  }
0x9: {  	[smem:$0x3FAF] =	sst s1  }
0xa: {  	[smem:$0x3FB0] =	sst s2  }
0xb: {  	[smem:$0x3FB1] =	sst s3  }
0xc: {  	[smem:$0x3FB2] =	sst s4  }
0xd: {  	[smem:$0x3FB3] =	sst s5  }
0xe: {  	[smem:$0x3FB4] =	sst s6  }
0xf: {  	[smem:$0x3FB5] =	sst s7  }
0x10: {  	[smem:$0x3FB6] =	sst s8  }
0x11: {  	[smem:$0x3FB7] =	sst s9;
	s0 =	simm.s32 @!p0 $0x0  }
0x12: {  	s1 =	sld [smem:$0x3F9D];
	s0 =	simm.s32 @p0 $0x1  }
0x13: {  	[smem:$0x3FB8] =	sst s0;
	s0 =	simm.s32 @!p1 $0x0  }
0x14: {  	s2 =	sld [smem:$0x3F9C];
	s0 =	simm.s32 @p1 $0x1  }
0x15: {  	[smem:$0x3FB9] =	sst s0;
	s0 =	simm.s32 @!p2 $0x0  }
0x16: {  	s3 =	sld [smem:$0x3FDB];
	s0 =	simm.s32 @p2 $0x1  }
0x17: {  	s4 =	simm.s32 $0x1BF5;
	[smem:$0x3FBB] =	sst s0  }
0x18: {  	s0 =	sld [smem:$0x3F9E];
	_ =	swait.ge [sflag:s4], $0x0  }
0x19: {  	s7 =	sld [smem:$0x3F9F]  }
0x1a: {  	s8 =	sadd.s32 $0xFFFFE003, lr  }
0x1b: {  	s9 =	sadd.s32 $0xFFFFFEF7, lr;
	s5 =	simm.s32 $0xFFFFFFFF;
	p2 =	slt.u32 s8, $0xFFFFF086  }
0x1c: {  	p1 =	slt.u32 s9, $0xF7A;
	s5 =	simm.s32 @!p2 $0x0  }
0x1d: {  	s5 =	simm.s32 @p1 $0x1;
	p0 =	seq.s32 s7, s2  }
0x1e: {  	s7 =	smul.u32 @!p0 $0xF7A, s2;
	p2 =	seq.s32 @!p0 s5, $0x0  }
0x1f: {  	s9 =	smul.u32 $0xF7A, s1;
	s8 =	simm.s32 @!p0 $0x1BF5;
	p2 =	por !p2, p0  }
0x20: {  	[sflag:s8] =	ssyncset.s32 @!p0 $0xFFFFF086;
	s6 =	sadd.s32 @!p0 s3, s7;
	s7 =	simm.s32 @!p0 $0x108  }
0x21: {  	s3 =	sadd.s32 s3, s9;
	s6 =	sadd.s32 @!p0 $0x88, s6;
	s7 =	simm.s32 @p2 $0x1082  }
0x22: {  	[simem:s7], [sflag:s8] =	dma.local @!p0 [hbm:s6], $0xF7A  }
0x23: {  	s9 =	sor.u32 $0xD0000000, s2;
	s6 =	simm.s32 $0x108;
	_ =	swait.ge @!p0 [sflag:s8], $0x0  }
0x24: {  	s3 =	sadd.s32 $0x88, s3;
	s6 =	simm.s32 @!p1 $0x1082;
	[sflag:s4] =	ssyncset.s32 $0xFFFFF086  }
0x25: {  	[simem:s6], [sflag:s4] =	dma.local [hbm:s3], $0xF7A  }
0x26: {  	[smem:$0x3F9F] =	sst s1;
	(tag) =	ssettag s2;
	_ =	strace s9  }
0x27: {  	s1 =	sld [smem:$0x3FAF]  }
0x28: {  	s2 =	sld [smem:$0x3FB0]  }
0x29: {  	s4 =	sld [smem:$0x3FB2]  }
0x2a: {  	p0 =	seq.s32 s5, $0x0;
	s5 =	sld [smem:$0x3FB3]  }
0x2b: {  	s6 =	sld [smem:$0x3FB4]  }
0x2c: {  	s7 =	sld [smem:$0x3FB5]  }
0x2d: {  	s3 =	simm.s32 $0x108;
	s8 =	sld [smem:$0x3FB6]  }
0x2e: {  	s3 =	simm.s32 @!p0 $0x1082;
	s9 =	sld [smem:$0x3FB7]  }
0x2f: {  	lr =	sadd.s32 s0, s3;
	s0 =	sld [smem:$0x3FAE]  }
0x30: {  	s3 =	sld [smem:$0x3FB1]  }
0x31: {  	[smem:$0x3FBA] =	sst s10  }
0x32: {  	s10 =	sld [smem:$0x3FB8];
	_ =	sdelay $0x3  }
0x33: {  	p0 =	seq.s32 s10, $0x1;
	s10 =	sld [smem:$0x3FBA];
	_ =	sdelay $0x3  }
0x34: {  	[smem:$0x3FBA] =	sst s10  }
0x35: {  	s10 =	sld [smem:$0x3FB9];
	_ =	sdelay $0x3  }
0x36: {  	p1 =	seq.s32 s10, $0x1;
	s10 =	sld [smem:$0x3FBA];
	_ =	sdelay $0x3  }
0x37: {  	[smem:$0x3FBA] =	sst s10  }
0x38: {  	s10 =	sld [smem:$0x3FBB]  }
0x39: {  	_ = 	snop;
	(pc) =	sbr.ind lr, $3  }
0x3a: {  	_ = 	snop  }
0x3b: {  	_ = 	snop  }
0x3c: {  	p2 =	seq.s32 s10, $0x1;
	s10 =	sld [smem:$0x3FBA]  }
0x3d: {  	_ =	shalt  }
0x3e: {  	_ =	shalt  }
0x3f: {  	_ =	shalt  }
0x40: {  	_ =	shalt  }
0x41: {  	_ =	shalt  }
0x42: {  	_ =	shalt  }
0x43: {  	_ =	shalt  }
0x44: {  	_ =	shalt  }
0x45: {  	_ =	shalt  }
0x46: {  	_ =	shalt  }
0x47: {  	_ =	shalt  }
0x48: {  	_ =	shalt  }
0x49: {  	_ =	shalt  }
0x4a: {  	_ =	shalt  }
0x4b: {  	_ =	shalt  }
0x4c: {  	_ =	shalt  }
0x4d: {  	_ =	shalt  }
0x4e: {  	_ =	shalt  }
0x4f: {  	_ =	shalt  }
0x50: {  	_ =	shalt  }
0x51: {  	_ =	shalt  }
0x52: {  	_ =	shalt  }
0x53: {  	_ =	shalt  }
0x54: {  	_ =	shalt  }
0x55: {  	_ =	shalt  }
0x56: {  	_ =	shalt  }
0x57: {  	_ =	shalt  }
0x58: {  	_ =	shalt  }
0x59: {  	_ =	shalt  }
0x5a: {  	_ =	shalt  }
0x5b: {  	_ =	shalt  }
0x5c: {  	_ =	shalt  }
0x5d: {  	_ =	shalt  }
0x5e: {  	_ =	shalt  }
0x5f: {  	_ =	shalt  }
0x60: {  	_ =	shalt  }
0x61: {  	_ =	shalt  }
0x62: {  	_ =	shalt  }
0x63: {  	_ =	shalt  }
0x64: {  	_ =	shalt  }
0x65: {  	_ =	shalt  }
0x66: {  	_ =	shalt  }
0x67: {  	_ =	shalt  }
0x68: {  	_ =	shalt  }
0x69: {  	_ =	shalt  }
0x6a: {  	_ =	shalt  }
0x6b: {  	_ =	shalt  }
0x6c: {  	_ =	shalt  }
0x6d: {  	_ =	shalt  }
0x6e: {  	_ =	shalt  }
0x6f: {  	_ =	shalt  }
0x70: {  	_ =	shalt  }
0x71: {  	_ =	shalt  }
0x72: {  	_ =	shalt  }
0x73: {  	_ =	shalt  }
0x74: {  	_ =	shalt  }
0x75: {  	_ =	shalt  }
0x76: {  	_ =	shalt  }
0x77: {  	_ =	shalt  }
0x78: {  	_ =	shalt  }
0x79: {  	_ =	shalt  }
0x7a: {  	_ =	shalt  }
0x7b: {  	_ =	shalt  }
0x7c: {  	_ =	shalt  }
0x7d: {  	_ =	shalt  }
0x7e: {  	_ =	shalt  }
0x7f: {  	_ =	shalt  }
0x80: {  	_ =	shalt  }
0x81: {  	_ =	shalt  }
0x82: {  	_ =	shalt  }
0x83: {  	_ =	shalt  }
0x84: {  	_ =	shalt  }
0x85: {  	_ =	shalt  }
0x86: {  	_ =	shalt  }
0x87: {  	_ =	shalt  }
.Lfunc_end0:
.L_simem_size_0:
called_computation_lowered:
.L_overlay_start_0:
0x88: {  	s2 =	sld [smem:$0x3FD9]  }
0x89: {  	s3 =	sld [smem:$0x3FFE];
	_ =	sdelay $0x1  }
0x8a: {  	s1 =	srdreg.scid  }
0x8b: {  	s0 =	sand.u32 $0x1, s1  }
0x8c: {  	s15 =	sshll.u32 s0, $0xA;
	s2 =	sadd.s32 s3, s2  }
0x8d: {  	s2 =	sadd.s32 s2, s15  }
0x8e: {  	[smem:$0x3FC6] =	sst s2  }
0x8f: {  	_ = 	snop  }
0x90: {  	s2 =	sld [smem:$0x3FD0];
	_ =	sdelay $0x1  }
0x91: {  	s16 =	sld [smem:$0x3FC9]  }
0x92: {  	s5 =	simm.s32 $0xA;
	s6 =	simm.s32 $0x10;
	s4 =	sld [smem:$0x3FC8]  }
0x93: {  	[smem:s6], [sflag:s5] =	dma.local [hbm:s2], $0x1  }
0x94: {  	_ =	swait.eq [sflag:s5], $0x1  }
0x95: {  	[sflag:s5] =	ssyncset.done $0x0  }
0x96: {  	[sflag:s5] =	ssyncadd.s32 $0xFFFFFFFF  }
0x97: {  	s17 =	sld [smem:$0x10];
	(tm) =	ssettm $0x1  }
0x98: {  	s18 =	sld [smem:$0x3FFB];
	_ =	sdelay $0x3  }
0x99: {  	_ =	strace s18  }
0x9a: {  	s5 =	sld [smem:$0x3FFC];
	_ =	sdelay $0x3  }
0x9b: {  	_ =	strace s5  }
0x9c: {  	s5 =	sld [smem:$0x3FFD];
	_ =	sdelay $0x3  }
0x9d: {  	_ =	strace s5  }
0x9e: {  	_ =	strace $0x8FFFFFFF  }
0x9f: {  	s19 =	sld [smem:$0x3FDB];
	_ =	sdelay $0x1  }
0xa0: {  	s20 =	simm.s32 $_scs_section_size  }
0xa1: {  	s7 =	simm.s32 $_size__tile_overlayer_lowered;
	s8 =	simm.s32 $_tile_overlayer_lowered  }
0xa2: {  	s23 =	simm.s32 $0x1BFF;
	s22 =	sshll.u32 s8, $0x1;
	s5 =	sadd.s32 s20, s19  }
0xa3: {  	s9 =	simm.s32 $0x0;
	s21 =	sshll.u32 s7, $0x1;
	s7 =	sadd.s32 s22, s5  }
0xa4: {  	[timem:s9], [sflag:s23] =	dma.local [hbm:s7], s21  }
0xa5: {  	_ =	swait.ge [sflag:s23], s21  }
0xa6: {  	s6 =	ssub.s32 $0x0, s21;
	[sflag:s23] =	ssyncset.done $0x0  }
0xa7: {  	[sflag:s23] =	ssyncadd.s32 s6;
	_ =	sdelay $0x1  }
0xa8: {  	s24 =	simm.s32 $0x1B8B  }
0xa9: {  	_ =	swait.ge [sflag:s24], $0x1  }
0xaa: {  	[sflag:s24] =	ssyncset.done $0x0  }
0xab: {  	s25 =	simm.s32 $0x1B8E;
	[sflag:s24] =	ssyncadd.s32 $0xFFFFFFFF  }
0xac: {  	s26 =	simm.s32 $execute0_lowered;
	[smem:$0x3FD2] =	sst s25  }
0xad: {  	s6 =	sshll.u32 s26, $0x1;
	_ =	strace $0x80000046;
	[dreg:$0x1] =	wrdreg $0xFFFFFFFF  }
0xae: {  	s28 =	simm.s32 $_size_execute0_lowered;
	s5 =	sadd.s32 s5, s6;
	[dreg:$0x0] =	wrdreg $0x0  }
0xaf: {  	s6 =	sshll.u32 s28, $0x1;
	[dreg:$0x2] =	wrdreg s5  }
0xb0: {  	[dreg:$0x3] =	wrdreg s6  }
0xb1: {  	[dreg:$0x4] =	wrdreg $0xC0  }
0xb2: {  	_ =	task [dreg:s9], $0x5FFFF  }
0xb3: {  	[dreg:$0x1] =	wrdreg $0xFFFFFFFF  }
0xb4: {  	[dreg:$0x0] =	wrdreg $0x60  }
0xb5: {  	[dreg:$0x2] =	wrdreg s16  }
0xb6: {  	[dreg:$0x3] =	wrdreg s4  }
0xb7: {  	[dreg:$0x4] =	wrdreg s17  }
0xb8: {  	[dreg:$0x5] =	wrdreg $0x9  }
0xb9: {  	_ =	task.clear_ibuf [dreg:s9], $0x6FFFF;
	_ =	strace $0x90000046  }
0xba: {  	s29 =	simm.s32 $0x9;
	_ =	strace $0x80000048  }
0xbb: {  	_ =	swait.ge [sflag:s29], $0x1  }
0xbc: {  	[sflag:s29] =	ssyncadd.s32 $0xFFFFFFFF  }
0xbd: {  	_ =	strace $0x90000048  }
0xbe: {  	_ =	sfence  }
0xbf: {  	s30 =	sld [smem:$0x0];
	_ =	sdelay $0x2  }
0xc0: {  	s31 =	sshll.u32 s1, $0xD;
	s1 =	sshrl.u32 s1, $0x2  }
0xc1: {  	s3 =	sand.u32 $0x4000, s31;
	s1 =	sadd.s32 s1, s30  }
0xc2: {  	s0 =	sor.u32 s3, s0;
	s1 =	sshll.u32 s1, $0x11  }
0xc3: {  	s0 =	sor.u32 s1, s0  }
0xc4: {  	s0 =	sadd.s32 $0x8F2B, s0  }
0xc5: {  	[sflag:s0] =	ssyncadd.remote.s32 $0x1  }
0xc6: {  	_ =	sfence.sel $0xFFFF  }
0xc7: {  	[dreg:$0x0] =	wrdreg $0xFFFFFFFF;
	(pc) =	sbr.abs _section_cstart, $3  }
0xc8: {  	[dreg:$0x1] =	wrdreg $0xFFFFFFFF  }
0xc9: {  	_ =	task.clear_ibuf [dreg:s9], $0x2FFFF;
	_ =	strace $0x9FFFFFFF  }
0xca: {  	(tm) =	ssettm $0x7FFFFFFF  }
0xcb: {  	_ =	shalt  }
tec
execute0_lowered:
.L_overlay_start_1:
0x0: {  	(tag) =	ssettag $0x1  }
0x1: {  	s0 =	srdreg.scid;
	s1 =	stileid.u32  }
0x2: {  	s0 =	sand.u32 $0x1, s0;
	s2 =	sshll.u32 s1, $0x1  }
0x3: {  	s4 =	rddreg [dreg:$0x0];
	s2 =	sor.u32 s0, s2  }
0x4: {  	s6 =	rddreg [dreg:$0x2];
	s5 =	simm.s32 $0x0;
	s30 =	smul.u32 $0x1880, s2  }
0x5: {  	s12 =	simm.s32 $0x100;
	s13 =	simm.s32 $0x7100;
	s2 =	smul.u32 $0x31000, s2  }
0x6: {  	s14 =	simm.s32 $0x1;
	s16 =	simm.s32 $0x2;
	[smem:$0x7FF] =	sst s5  }
0x7: {  	s0 =	ssub.s32 $0x2, s0;
	_ =	strace $0x80000047;
	s2 =	sadd.s32 s4, s2  }
0x8: {  	s3 =	sshrl.u32 s0, $0x1;
	s31 =	sor.u32 $0x70, s30;
	[dreg:$0x4] =	wrdreg s2  }
0x9: {  	s0 =	ssub.s32 s0, s3;
	s1 =	sadd.s32 $0xE0, s30;
	[dreg:$0x5] =	wrdreg s31  }
0xa: {  	s17 =	simm.s32 $0x4;
	s0 =	smax.u32 s0, $0x1;
	[dreg:$0x6] =	wrdreg s1  }
0xb: {  	s8 =	smov.u32 s30;
	[dreg:$0x7] =	wrdreg s0;
	s1 =	simm.s32 $0x0  }
.LBB2_1:
0xc: {  	[dreg:$0x8] =	wrdreg s1  }
0xd: {  	s0 =	rddreg [dreg:$0x1];
	s30 =	simm.s32 $0x5  }
0xe: {  	[tilespmem:s5], [sflag:$0x5] =	stream.linear.gather [hbm4b:s0+s5], $0x100, $0x38;
	[tilespmem:$0x1C100] =	vst v63  }
0xf: {  	_ =	swait.ge [sflag:s30], $0x100  }
0x10: {  	[sflag:s30] =	ssyncset.done $0x0  }
0x11: {  	[sflag:s30] =	ssyncadd.s32 $0xFFFFFF00  }
0x12: {  	v0 =	vld [tilespmem:$0x0]  }
0x13: {  	v1 =	vld [tilespmem:$0x10]  }
0x14: {  	v2 =	vld [tilespmem:$0x20]  }
0x15: {  	v3 =	vld [tilespmem:$0x30]  }
0x16: {  	v4 =	vld [tilespmem:$0x40]  }
0x17: {  	v5 =	vld [tilespmem:$0x50]  }
0x18: {  	v8 =	vld [tilespmem:$0x70]  }
0x19: {  	v42 =	vld [tilespmem:$0x80]  }
0x1a: {  	v46 =	vld [tilespmem:$0xA0]  }
0x1b: {  	v45 =	vld [tilespmem:$0x90]  }
0x1c: {  	s31 =	rddreg [dreg:$0x4];
	v6 =	vld [tilespmem:$0x60]  }
0x1d: {  	v50 =	vld [tilespmem:$0xB0];
	[tilespmem:s12], [sflag:$0x1] =	stream.linear.gather [hbm4b:s31+s5], $0x7000, $0x38;
	v12 =	vand.u32 $0x7F, v8  }
0x1e: {  	v14 =	vand.u32 $0x7F, v42;
	[tilespmem:$0x1FEB0] =	vst v12  }
0x1f: {  	v17 =	vand.u32 $0x7F, v46;
	[tilespmem:$0x1FED0] =	vst v14  }
0x20: {  	v21 =	vand.u32 $0x7F, v45;
	[tilespmem:$0x1FEF0] =	vst v17  }
0x21: {  	v11 =	vand.u32 $0x7F, v6;
	[tilespmem:$0x1FF00] =	vst v21  }
0x22: {  	v20 =	vand.u32 $0x7F, v0;
	[tilespmem:$0x1FF30] =	vst v11  }
0x23: {  	v52 =	vand.u32 $0x7F, v1;
	[tilespmem:$0x1FF60] =	vst v20  }
0x24: {  	v61 =	vand.u32 $0x7F, v2;
	[tilespmem:$0x1FF80] =	vst v52  }
0x25: {  	v55 =	vand.u32 $0x7F, v3;
	[tilespmem:$0x1FFA0] =	vst v61  }
0x26: {  	v51 =	vand.u32 $0x7F, v4;
	[tilespmem:$0x1FFB0] =	vst v55  }
0x27: {  	v62 =	vshll.u32 v50, $0x3;
	v18 =	vand.u32 $0x7F, v50;
	[tilespmem:$0x1FFE0] =	vst v51  }
0x28: {  	v49 =	vshll.u32 v5, $0x3;
	v63 =	vand.u32 $0xFFFFFC00, v62;
	[tilespmem:$0x1FFF0] =	vst v18  }
0x29: {  	v54 =	vshll.u32 v8, $0x3;
	v23 =	vand.u32 $0xFFFFFC00, v49;
	[tilespmem:$0x1FE90] =	vst v63  }
0x2a: {  	v56 =	vshll.u32 v45, $0x3;
	v13 =	vand.u32 $0xFFFFFC00, v54;
	[tilespmem:$0x1FEA0] =	vst v23  }
0x2b: {  	v57 =	vshll.u32 v46, $0x3;
	v16 =	vand.u32 $0xFFFFFC00, v56;
	[tilespmem:$0x1FEC0] =	vst v13  }
0x2c: {  	v53 =	vshll.u32 v6, $0x3;
	v19 =	vand.u32 $0xFFFFFC00, v57;
	[tilespmem:$0x1FEE0] =	vst v16  }
0x2d: {  	v47 =	vshll.u32 v4, $0x3;
	v10 =	vand.u32 $0xFFFFFC00, v53;
	[tilespmem:$0x1FF10] =	vst v19  }
0x2e: {  	v0 =	vshll.u32 v0, $0x3;
	v9 =	vand.u32 $0xFFFFFC00, v47;
	[tilespmem:$0x1FF20] =	vst v10  }
0x2f: {  	v43 =	vshll.u32 v2, $0x3;
	v48 =	vand.u32 $0xFFFFFC00, v0;
	[tilespmem:$0x1FF40] =	vst v9  }
0x30: {  	v44 =	vshll.u32 v3, $0x3;
	v60 =	vand.u32 $0xFFFFFC00, v43;
	[tilespmem:$0x1FF70] =	vst v48  }
0x31: {  	v7 =	vshll.u32 v1, $0x3;
	v59 =	vand.u32 $0xFFFFFC00, v44;
	[tilespmem:$0x1FF90] =	vst v60  }
0x32: {  	v58 =	vand.u32 $0xFFFFFC00, v7;
	v0 =	vshll.u32 v42, $0x3;
	[tilespmem:$0x1FFC0] =	vst v59  }
0x33: {  	v15 =	vand.u32 $0xFFFFFC00, v0;
	[tilespmem:$0x1FFD0] =	vst v58  }
0x34: {  	s21 =	simm.s32 $0x0;
	v22 =	vand.u32 $0x7F, v5;
	[tilespmem:$0x1FF50] =	vst v15  }
.LBB2_2:
0x35: {  	s23 =	smul.u32 $0xE0, s21  }
0x36: {  	s0 =	rddreg [dreg:$0x5]  }
0x37: {  	v0 =	vimm.s32 $0x0;
	s0 =	sadd.s32 s23, s0  }
0x38: {  	s11 =	rddreg [dreg:$0x0];
	v1 =	vshll.u32 v0, $0x8;
	s22 =	sshll.u32 s0, $0x5  }
0x39: {  	v7 =	vand.u32 $0xFFFFF800, v1;
	s0 =	sadd.s32 s11, s22  }
0x3a: {  	v2 =	vshll.u32 v0, $0x7;
	v1 =	vadd.s32 v48, v7;
	[tilespmem:s13], [sflag:$0x2] =	stream.linear.gather [hbm4b:s0+s5], $0x7000, $0x38;
	[tilespmem:$0x1C100] =	vst v63  }
0x3b: {  	v56 =	vand.u32 $0x200, v2;
	v1 =	vor.u32 v20, v1;
	_ =	swait.ge [sflag:s14], $0x7000  }
0x3c: {  	p0 =	seq.s32 s21, $0x0;
	v2 =	vor.u32 v56, v1;
	[sflag:s14] =	ssyncset.done $0x0  }
0x3d: {  	v6 =	vor.u32 $0x100, v56;
	s0 =	simm.s32 @!p0 $0x3;
	[sflag:s14] =	ssyncadd.s32 $0xFFFF9000  }
0x3e: {  	v3 =	vor.u32 v6, v1;
	_ =	swait.ge @!p0 [sflag:s0], $0x7000  }
0x3f: {  	[sflag:s0] =	ssyncset.done @!p0 $0x0  }
0x40: {  	v4 =	vadd.s32 v58, v7;
	[sflag:s0] =	ssyncadd.s32 @!p0 $0xFFFF9000  }
0x41: {  	v4 =	vor.u32 v52, v4;
	v2 =	vld.idx.msk [tilespmem:v2+s12+$0x0], $0xffff  }
0x42: {  	v38 =	vor.u32 $0x80, v56;
	v5 =	vor.u32 v56, v4  }
0x43: {  	s15 =	simm.s32 $0x0;
	v8 =	vor.u32 v38, v1;
	v3 =	vld.idx.msk [tilespmem:v3+s12+$0x0], $0xffff  }
0x44: {  	s2 =	sand.u32 $0x7800, s15;
	s0 =	sand.u32 $0x200, s15  }
0x45: {  	v62 =	vmov v9;
	v9 =	vor.u32 v6, v4;
	s0 =	sor.u32 s0, s2  }
0x46: {  	v24 =	vor.u32 $0x180, v56;
	v25 =	vadd.s32 v60, v7;
	[tilespmem:s0+$0xE100] =	vst v2  }
0x47: {  	v1 =	vor.u32 v24, v1;
	v2 =	vor.u32 v61, v25;
	v5 =	vld.idx.msk [tilespmem:v5+s12+$0x0], $0xffff  }
0x48: {  	[tilespmem:s0+$0xE200] =	vst v3;
	v3 =	vld.idx.msk [tilespmem:v8+s12+$0x0], $0xffff;
	v25 =	vor.u32 v56, v2  }
0x49: {  	v8 =	vor.u32 v38, v4  }
0x4a: {  	v9 =	vld.idx.msk [tilespmem:v9+s12+$0x0], $0xffff  }
0x4b: {  	v26 =	vor.u32 v6, v2  }
0x4c: {  	v27 =	vadd.s32 v59, v7;
	v1 =	vld.idx.msk [tilespmem:v1+s12+$0x0], $0xffff;
	[tilespmem:s0+$0xE110] =	vst v5  }
0x4d: {  	v4 =	vor.u32 v24, v4;
	[tilespmem:s0+$0xE180] =	vst v3;
	v5 =	vor.u32 v55, v27;
	v25 =	vld.idx.msk [tilespmem:v25+s12+$0x0], $0xffff  }
0x4e: {  	v8 =	vld.idx.msk [tilespmem:v8+s12+$0x0], $0xffff;
	v3 =	vor.u32 v56, v5  }
0x4f: {  	[tilespmem:s0+$0xE210] =	vst v9;
	v27 =	vor.u32 v38, v2  }
0x50: {  	v26 =	vld.idx.msk [tilespmem:v26+s12+$0x0], $0xffff  }
0x51: {  	[tilespmem:s0+$0xE280] =	vst v1;
	v1 =	vor.u32 v6, v5  }
0x52: {  	v4 =	vld.idx.msk [tilespmem:v4+s12+$0x0], $0xffff;
	v9 =	vadd.s32 v62, v7;
	[tilespmem:s0+$0xE120] =	vst v25  }
0x53: {  	v2 =	vor.u32 v24, v2;
	v9 =	vor.u32 v51, v9;
	[tilespmem:s0+$0xE190] =	vst v8;
	v3 =	vld.idx.msk [tilespmem:v3+s12+$0x0], $0xffff  }
0x54: {  	v29 =	vor.u32 v56, v9;
	v25 =	vld.idx.msk [tilespmem:v27+s12+$0x0], $0xffff  }
0x55: {  	v28 =	vadd.s32 v23, v7;
	[tilespmem:s0+$0xE220] =	vst v26  }
0x56: {  	v28 =	vor.u32 v22, v28;
	v32 =	vor.u32 v38, v5;
	v33 =	vld.idx.msk [tilespmem:v1+s12+$0x0], $0xffff  }
0x57: {  	v31 =	vor.u32 v56, v28;
	v41 =	vor.u32 v38, v28;
	v30 =	vor.u32 v6, v9;
	[tilespmem:s0+$0xE290] =	vst v4  }
0x58: {  	v42 =	vor.u32 v24, v28;
	v2 =	vld.idx.msk [tilespmem:v2+s12+$0x0], $0xffff;
	v1 =	vadd.s32 v15, v7;
	[tilespmem:s0+$0xE130] =	vst v3  }
0x59: {  	v8 =	vor.u32 v6, v28;
	v28 =	vor.u32 v14, v1;
	v1 =	vadd.s32 $0x4, v0;
	[tilespmem:s0+$0xE1A0] =	vst v25;
	v29 =	vld.idx.msk [tilespmem:v29+s12+$0x0], $0xffff  }
0x5a: {  	v34 =	vor.u32 v24, v5;
	[tilespmem:$0x1FE80] =	vst v1  }
0x5b: {  	v57 =	vadd.s32 v16, v7;
	v26 =	vadd.s32 v13, v7;
	v37 =	vld.idx.msk [tilespmem:v32+s12+$0x0], $0xffff;
	[tilespmem:s0+$0xE230] =	vst v33  }
0x5c: {  	v46 =	vor.u32 v21, v57;
	v36 =	vor.u32 v24, v9;
	v26 =	vor.u32 v12, v26;
	v30 =	vld.idx.msk [tilespmem:v30+s12+$0x0], $0xffff  }
0x5d: {  	v9 =	vor.u32 v38, v9;
	v43 =	vor.u32 v56, v26;
	v44 =	vor.u32 v38, v26;
	[tilespmem:s0+$0xE2A0] =	vst v2  }
0x5e: {  	v0 =	vshll.u32 v1, $0x8;
	v25 =	vshll.u32 v1, $0x7;
	v1 =	vor.u32 v38, v46;
	[tilespmem:s0+$0xE140] =	vst v29  }
0x5f: {  	v39 =	vor.u32 v24, v26;
	v40 =	vor.u32 v6, v26;
	v34 =	vld.idx.msk [tilespmem:v34+s12+$0x0], $0xffff;
	[tilespmem:$0x1FE70] =	vst v1  }
0x60: {  	v5 =	vor.u32 v56, v28;
	v4 =	vor.u32 v6, v28;
	v0 =	vand.u32 $0xFFFFF800, v0;
	[tilespmem:s0+$0xE1B0] =	vst v37  }
0x61: {  	v54 =	vadd.s32 v48, v0;
	v48 =	vor.u32 v24, v28;
	v26 =	vand.u32 $0x200, v25;
	[tilespmem:s0+$0xE240] =	vst v30  }
0x62: {  	v3 =	vor.u32 v38, v28;
	v45 =	vor.u32 v20, v54;
	v25 =	vor.u32 $0x180, v26;
	v28 =	vld [tilespmem:$0x1FE90]  }
0x63: {  	v47 =	vor.u32 v25, v45;
	_ =	sdelay $0x2  }
0x64: {  	v27 =	vadd.s32 v10, v7;
	v29 =	vor.u32 v26, v45;
	v49 =	vld.idx.msk [tilespmem:v31+s12+$0x0], $0xffff  }
0x65: {  	v35 =	vor.u32 $0x100, v26;
	v2 =	vadd.s32 v19, v7;
	v9 =	vld.idx.msk [tilespmem:v9+s12+$0x0], $0xffff;
	v7 =	vadd.s32 v28, v7  }
0x66: {  	v50 =	vor.u32 v35, v45;
	v47 =	vld.idx.msk [tilespmem:v47+s12+$0x0], $0xffff;
	v7 =	vor.u32 v18, v7  }
0x67: {  	v32 =	vor.u32 v17, v2;
	v8 =	vld.idx.msk [tilespmem:v8+s12+$0x0], $0xffff;
	[tilespmem:s0+$0xE2B0] =	vst v34;
	v2 =	vor.u32 v56, v7  }
0x68: {  	v63 =	vld.idx.msk [tilespmem:v36+s12+$0x0], $0xffff;
	[tilespmem:$0x1FE30] =	vst v2;
	v2 =	vor.u32 v38, v7  }
0x69: {  	v1 =	vmov v51;
	v51 =	vor.u32 v11, v27;
	v27 =	vadd.s32 v58, v0;
	v58 =	vld.idx.msk [tilespmem:v29+s12+$0x0], $0xffff;
	[tilespmem:$0x1FE40] =	vst v2  }
0x6a: {  	v52 =	vor.u32 v52, v27;
	v53 =	vor.u32 v6, v51;
	v2 =	vor.u32 v6, v7;
	[tilespmem:s0+$0xE1C0] =	vst v9  }
0x6b: {  	s25 =	simm.s32 $0x200;
	s26 =	simm.s32 $0x400;
	v57 =	vor.u32 v25, v52;
	v50 =	vld.idx.msk [tilespmem:v50+s12+$0x0], $0xffff;
	[tilespmem:$0x1FE50] =	vst v2  }
0x6c: {  	s18 =	sand.u32 $0x7800, s26;
	s3 =	sand.u32 $0x200, s25;
	v2 =	vor.u32 v24, v7;
	[tilespmem:s0+$0xE250] =	vst v8  }
0x6d: {  	s24 =	sor.u32 s3, s18;
	v37 =	vor.u32 v6, v46;
	v9 =	vor.u32 v56, v51;
	v41 =	vld.idx.msk [tilespmem:v41+s12+$0x0], $0xffff;
	[tilespmem:$0x1FE60] =	vst v2  }
0x6e: {  	v31 =	vor.u32 v6, v32;
	v36 =	vor.u32 $0x80, v26;
	v6 =	vor.u32 v26, v52;
	[tilespmem:s24+$0xE280] =	vst v47  }
0x6f: {  	v60 =	vadd.s32 v60, v0;
	v7 =	vor.u32 v36, v45;
	v8 =	vld.idx.msk [tilespmem:v53+s12+$0x0], $0xffff;
	[tilespmem:s0+$0xE2C0] =	vst v63  }
0x70: {  	v34 =	vor.u32 v38, v32;
	v38 =	vor.u32 v38, v51;
	[tilespmem:s0+$0xE150] =	vst v49;
	v47 =	vld.idx.msk [tilespmem:v57+s12+$0x0], $0xffff  }
0x71: {  	v62 =	vadd.s32 v62, v0;
	v53 =	vor.u32 v35, v52;
	[tilespmem:s24+$0xE100] =	vst v58;
	v42 =	vld.idx.msk [tilespmem:v42+s12+$0x0], $0xffff  }
0x72: {  	v54 =	vor.u32 v56, v46;
	v45 =	vor.u32 v61, v60;
	v9 =	vld.idx.msk [tilespmem:v9+s12+$0x0], $0xffff;
	[tilespmem:s24+$0xE200] =	vst v50  }
0x73: {  	v33 =	vor.u32 v24, v46;
	v46 =	vor.u32 v25, v45;
	v6 =	vld.idx.msk [tilespmem:v6+s12+$0x0], $0xffff;
	[tilespmem:s0+$0xE1D0] =	vst v41  }
0x74: {  	v20 =	vmov v55;
	v55 =	vor.u32 v36, v52;
	v51 =	vor.u32 v24, v51;
	v7 =	vld.idx.msk [tilespmem:v7+s12+$0x0], $0xffff;
	[tilespmem:s0+$0xE260] =	vst v8  }
0x75: {  	v49 =	vadd.s32 v59, v0;
	v63 =	vadd.s32 v23, v0;
	v38 =	vld.idx.msk [tilespmem:v38+s12+$0x0], $0xffff;
	[tilespmem:s24+$0xE290] =	vst v47  }
0x76: {  	v50 =	vor.u32 v1, v62;
	v57 =	vor.u32 v26, v45;
	v59 =	vld.idx.msk [tilespmem:v53+s12+$0x0], $0xffff;
	[tilespmem:s0+$0xE2D0] =	vst v42  }
0x77: {  	v61 =	vor.u32 v20, v49;
	v8 =	vor.u32 v22, v63;
	[tilespmem:s0+$0xE160] =	vst v9;
	v63 =	vld.idx.msk [tilespmem:v40+s12+$0x0], $0xffff  }
0x78: {  	v60 =	vor.u32 v26, v50;
	v27 =	vor.u32 v35, v50;
	[tilespmem:s24+$0xE110] =	vst v6;
	v46 =	vld.idx.msk [tilespmem:v46+s12+$0x0], $0xffff  }
0x79: {  	v53 =	vor.u32 v25, v50;
	v42 =	vor.u32 v35, v45;
	v9 =	vld.idx.msk [tilespmem:v51+s12+$0x0], $0xffff;
	[tilespmem:s24+$0xE180] =	vst v7  }
0x7a: {  	v52 =	vor.u32 v26, v8;
	v6 =	vor.u32 v25, v61;
	v62 =	vld.idx.msk [tilespmem:v43+s12+$0x0], $0xffff;
	[tilespmem:s0+$0xE1E0] =	vst v38  }
0x7b: {  	v49 =	vor.u32 v36, v8;
	v47 =	vor.u32 v25, v8;
	v41 =	vld.idx.msk [tilespmem:v57+s12+$0x0], $0xffff;
	[tilespmem:s24+$0xE210] =	vst v59  }
0x7c: {  	v51 =	vor.u32 v36, v50;
	v50 =	vor.u32 v35, v8;
	v7 =	vld.idx.msk [tilespmem:v55+s12+$0x0], $0xffff;
	[tilespmem:s0+$0xE270] =	vst v63  }
0x7d: {  	v8 =	vadd.s32 v13, v0;
	v55 =	vor.u32 v26, v61;
	v38 =	vld.idx.msk [tilespmem:v44+s12+$0x0], $0xffff;
	[tilespmem:s24+$0xE2A0] =	vst v46  }
0x7e: {  	v13 =	vadd.s32 v15, v0;
	v15 =	vor.u32 v36, v45;
	v57 =	vld.idx.msk [tilespmem:v42+s12+$0x0], $0xffff;
	[tilespmem:s0+$0xE2E0] =	vst v9  }
0x7f: {  	v8 =	vor.u32 v12, v8;
	[tilespmem:s0+$0xE170] =	vst v62;
	v6 =	vld.idx.msk [tilespmem:v6+s12+$0x0], $0xffff  }
0x80: {  	v9 =	vor.u32 v14, v13;
	v13 =	vor.u32 v35, v61;
	[tilespmem:s24+$0xE120] =	vst v41;
	v12 =	vld.idx.msk [tilespmem:v39+s12+$0x0], $0xffff  }
0x81: {  	p1 =	por $0x0, $0x0;
	s2 =	simm.s32 $0x1;
	[tilespmem:s24+$0xE190] =	vst v7;
	v5 =	vld.idx.msk [tilespmem:v5+s12+$0x0], $0xffff  }
0x82: {  	s2 =	simm.s32 @!p1 $0x0;
	v43 =	vor.u32 v26, v8;
	v45 =	vor.u32 v35, v8;
	v7 =	vld.idx.msk [tilespmem:v55+s12+$0x0], $0xffff;
	[tilespmem:s0+$0xE1F0] =	vst v38  }
0x83: {  	s2 =	sshll.u32 s2, $0x9;
	v44 =	vor.u32 v36, v8;
	v41 =	vor.u32 v25, v8;
	v8 =	vld.idx.msk [tilespmem:v15+s12+$0x0], $0xffff;
	[tilespmem:s24+$0xE220] =	vst v57  }
0x84: {  	s7 =	sadd.s32 $0x0, s2;
	v15 =	vld.idx.msk [tilespmem:v3+s12+$0x0], $0xffff;
	[tilespmem:s24+$0xE2B0] =	vst v6  }
0x85: {  	s2 =	sor.u32 $0x400, s7;
	v2 =	vld.idx.msk [tilespmem:v13+s12+$0x0], $0xffff;
	[tilespmem:s0+$0xE2F0] =	vst v12  }
0x86: {  	[tilespmem:s2+$0xE100] =	vst v5  }
0x87: {  	s2 =	sadd.s32 $0x80, s7;
	[tilespmem:s24+$0xE130] =	vst v7  }
0x88: {  	[tilespmem:s24+$0xE1A0] =	vst v8;
	s19 =	sor.u32 $0x400, s2  }
0x89: {  	[tilespmem:s19+$0xE100] =	vst v15  }
0x8a: {  	v1 =	vld.idx.msk [tilespmem:v48+s12+$0x0], $0xffff;
	[tilespmem:s24+$0xE230] =	vst v2  }
0x8b: {  	v2 =	vld [tilespmem:$0x1FE70];
	_ =	sdelay $0x1  }
0x8c: {  	s31 =	sadd.s32 $0x180, s7;
	v58 =	vadd.s32 v10, v0  }
0x8d: {  	s20 =	sor.u32 $0x400, s31;
	v42 =	vor.u32 v26, v9;
	v39 =	vor.u32 v36, v9;
	v40 =	vor.u32 v35, v9  }
0x8e: {  	v38 =	vor.u32 v25, v9;
	v9 =	vadd.s32 v16, v0;
	v5 =	vld.idx.msk [tilespmem:v4+s12+$0x0], $0xffff;
	[tilespmem:s20+$0xE100] =	vst v1  }
0x8f: {  	p1 =	por !p1, !p1;
	v14 =	vadd.s32 v19, v0;
	v16 =	vor.u32 v36, v61;
	v9 =	vor.u32 v21, v9;
	s0 =	simm.s32 $0x1;
	v1 =	vld [tilespmem:$0x1FE80]  }
0x90: {  	v59 =	vor.u32 v17, v14;
	v46 =	vor.u32 v26, v9;
	v3 =	vor.u32 v25, v9;
	s0 =	simm.s32 @!p1 $0x0;
	v6 =	vld.idx.msk [tilespmem:v54+s12+$0x0], $0xffff  }
0x91: {  	v4 =	vadd.s32 v28, v0;
	v0 =	vor.u32 v35, v9;
	v48 =	vor.u32 v36, v9;
	v9 =	vld.idx.msk [tilespmem:v60+s12+$0x0], $0xffff;
	s0 =	sshll.u32 s0, $0x9  }
0x92: {  	s11 =	simm.s32 $0x4;
	s28 =	sadd.s32 $0x100, s7;
	v62 =	vor.u32 v36, v59;
	v63 =	vor.u32 v35, v59;
	v19 =	vor.u32 v18, v4;
	s29 =	sadd.s32 $0x400, s0;
	v7 =	vld.idx.msk [tilespmem:v2+s12+$0x0], $0xffff  }
0x93: {  	s10 =	sor.u32 $0x410, s7;
	s9 =	sor.u32 $0x400, s28;
	v8 =	vor.u32 v56, v32;
	v61 =	vor.u32 v26, v19;
	v57 =	vor.u32 v36, v19;
	s30 =	sadd.s32 $0x80, s29;
	v2 =	vld.idx.msk [tilespmem:v27+s12+$0x0], $0xffff  }
0x94: {  	v4 =	vld.idx.msk [tilespmem:v16+s12+$0x0], $0xffff;
	v55 =	vor.u32 v35, v19;
	v54 =	vor.u32 v25, v19;
	s3 =	sadd.s32 $0x100, s29;
	s0 =	sadd.s32 $0x180, s29;
	s19 =	sor.u32 $0x410, s29;
	v56 =	vadd.s32 $0x4, v1  }
.LBB2_3:
0x95: {  	v10 =	vld.idx.msk [tilespmem:v33+s12+$0x0], $0xffff  }
0x96: {  	v12 =	vld [tilespmem:$0x1FFD0];
	[tilespmem:s9+$0xE100] =	vst v5  }
0x97: {  	v33 =	vmov v3;
	v3 =	vld.idx.msk [tilespmem:v37+s12+$0x0], $0xffff  }
0x98: {  	[tilespmem:s24+$0xE240] =	vst v2;
	v2 =	vld [tilespmem:$0x1FF90];
	_ =	sdelay $0x1  }
0x99: {  	v1 =	vshll.u32 v56, $0x8;
	[tilespmem:s10+$0xE100] =	vst v6;
	v6 =	vld [tilespmem:$0x1FF70]  }
0x9a: {  	v1 =	vand.u32 $0xFFFFF800, v1;
	[tilespmem:s24+$0xE140] =	vst v9;
	v9 =	vld [tilespmem:$0x1FF60]  }
0x9b: {  	s18 =	sor.u32 $0x410, s31;
	v14 =	vadd.s32 v12, v1;
	v12 =	vld.idx.msk [tilespmem:v53+s12+$0x0], $0xffff  }
0x9c: {  	[tilespmem:s18+$0xE100] =	vst v10;
	v10 =	vadd.s32 v2, v1;
	v2 =	vld [tilespmem:$0x1FFC0]  }
0x9d: {  	s15 =	sor.u32 $0x410, s2;
	v8 =	vld.idx.msk [tilespmem:v8+s12+$0x0], $0xffff  }
0x9e: {  	[tilespmem:s15+$0xE100] =	vst v7  }
0x9f: {  	v53 =	vld.idx.msk [tilespmem:v34+s12+$0x0], $0xffff  }
0xa0: {  	v37 =	vor.u32 v24, v32;
	v52 =	vld.idx.msk [tilespmem:v52+s12+$0x0], $0xffff;
	v6 =	vadd.s32 v6, v1  }
0xa1: {  	s10 =	smov.u32 s19;
	s19 =	sor.u32 $0x420, s7;
	v34 =	vmovc v62;
	v6 =	vor.u32 v9, v6;
	v9 =	vld [tilespmem:$0x1FF80];
	v62 =	vadd.s32 v2, v1;
	v2 =	vadd.s32 v23, v1  }
0xa2: {  	[tilespmem:s19+$0xE100] =	vst v8;
	v8 =	vor.u32 v22, v2;
	v2 =	vld [tilespmem:$0x1FE30]  }
0xa3: {  	v13 =	vshll.u32 v56, $0x7  }
0xa4: {  	v60 =	vand.u32 $0x200, v13  }
0xa5: {  	v30 =	vmov v11;
	v20 =	vld [tilespmem:$0x1FE60];
	v5 =	vor.u32 v11, v58;
	v11 =	vor.u32 $0x80, v60  }
0xa6: {  	v24 =	vmovc v25;
	v25 =	vor.u32 $0x180, v60;
	v32 =	vmov v59;
	s15 =	sor.u32 $0x410, s28;
	[tilespmem:s24+$0xE1B0] =	vst v4;
	v17 =	vld.idx.msk [tilespmem:v37+s12+$0x0], $0xffff;
	v58 =	vor.u32 v60, v6  }
0xa7: {  	v7 =	vor.u32 $0x100, v60;
	[tilespmem:s15+$0xE100] =	vst v3;
	v37 =	vmovc v0;
	v0 =	vld [tilespmem:$0x1FF40];
	v59 =	vor.u32 v11, v6;
	v9 =	vor.u32 v9, v14  }
0xa8: {  	v4 =	vld [tilespmem:$0x1FFE0];
	v13 =	vor.u32 v25, v6;
	v15 =	vor.u32 v7, v6;
	[tilespmem:s24+$0xE150] =	vst v52;
	v14 =	vor.u32 v60, v9  }
0xa9: {  	v16 =	vor.u32 v25, v9;
	v6 =	vor.u32 v7, v9;
	v3 =	vor.u32 v11, v9;
	v9 =	vld.idx.msk [tilespmem:v31+s12+$0x0], $0xffff  }
0xaa: {  	v31 =	vmov v63;
	v63 =	vld.idx.msk [tilespmem:v2+s12+$0x0], $0xffff  }
0xab: {  	v2 =	vmov v61;
	v61 =	vld.idx.msk [tilespmem:v58+s12+$0x0], $0xffff  }
0xac: {  	s20 =	sor.u32 $0x420, s2;
	v0 =	vadd.s32 v0, v1;
	v58 =	vld [tilespmem:$0x1FE40]  }
0xad: {  	v18 =	vld.idx.msk [tilespmem:v51+s12+$0x0], $0xffff;
	[tilespmem:s20+$0xE100] =	vst v53;
	v0 =	vor.u32 v4, v0  }
0xae: {  	v19 =	vld.idx.msk [tilespmem:v50+s12+$0x0], $0xffff;
	[tilespmem:s24+$0xE2C0] =	vst v12;
	v4 =	vor.u32 v60, v0;
	v53 =	vor.u32 v25, v0  }
0xaf: {  	v51 =	vor.u32 v11, v0;
	[tilespmem:$0x1FE30] =	vst v2;
	v2 =	vor.u32 v7, v0;
	v0 =	vld.idx.msk [tilespmem:v13+s12+$0x0], $0xffff  }
0xb0: {  	v50 =	vor.u32 v7, v8;
	v13 =	vor.u32 v35, v5;
	v35 =	vmov v7;
	v7 =	vld [tilespmem:$0x1FF20]  }
0xb1: {  	s1 =	sor.u32 $0x420, s31  }
0xb2: {  	s4 =	sor.u32 $0x420, s28;
	[tilespmem:s1+$0xE100] =	vst v17  }
0xb3: {  	[tilespmem:s4+$0xE100] =	vst v9;
	v9 =	vmov v57;
	v57 =	vld.idx.msk [tilespmem:v20+s12+$0x0], $0xffff  }
0xb4: {  	v52 =	vor.u32 v60, v8;
	v17 =	vld.idx.msk [tilespmem:v58+s12+$0x0], $0xffff  }
0xb5: {  	v12 =	vor.u32 v11, v8;
	v20 =	vmovc v55;
	v58 =	vadd.s32 v7, v1;
	v7 =	vor.u32 v25, v8;
	v8 =	vld [tilespmem:$0x1FE50]  }
0xb6: {  	[tilespmem:$0x1FE50] =	vst v20;
	v20 =	vld [tilespmem:$0x1FEC0];
	_ =	sdelay $0x3  }
0xb7: {  	p1 =	por !p1, !p1;
	s15 =	simm.s32 $0x1  }
0xb8: {  	s25 =	sadd.s32 $0x200, s25;
	s15 =	simm.s32 @!p1 $0x0;
	v55 =	vadd.s32 v20, v1;
	v20 =	vld [tilespmem:$0x1FF50]  }
0xb9: {  	s26 =	sadd.s32 $0x400, s26;
	s7 =	sor.u32 $0x430, s7;
	s15 =	sshll.u32 s15, $0x9;
	[tilespmem:$0x1FE40] =	vst v9  }
0xba: {  	s20 =	sand.u32 $0x7800, s26;
	s15 =	sadd.s32 s15, s26;
	s4 =	sand.u32 $0x200, s25;
	[tilespmem:s7+$0xE100] =	vst v63;
	v8 =	vld.idx.msk [tilespmem:v8+s12+$0x0], $0xffff  }
0xbb: {  	s9 =	sadd.s32 $0x80, s15;
	s20 =	sor.u32 s4, s20;
	v15 =	vld.idx.msk [tilespmem:v15+s12+$0x0], $0xffff;
	[tilespmem:s24+$0xE250] =	vst v19  }
0xbc: {  	s18 =	sadd.s32 $0x100, s15;
	s19 =	sor.u32 $0x410, s15;
	s1 =	sadd.s32 $0x180, s15;
	[tilespmem:s20+$0xE280] =	vst v0;
	v0 =	vld.idx.msk [tilespmem:v13+s12+$0x0], $0xffff  }
0xbd: {  	s7 =	smov.u32 s29;
	s29 =	smov.u32 s15;
	s15 =	sor.u32 $0x430, s2;
	[tilespmem:s20+$0xE100] =	vst v61;
	v61 =	vadd.s32 v20, v1;
	v20 =	vmov v54  }
0xbe: {  	s2 =	smov.u32 s30;
	s30 =	smov.u32 s9;
	s9 =	sor.u32 $0x430, s28;
	[tilespmem:$0x1FE60] =	vst v20;
	v20 =	vld [tilespmem:$0x1FEB0]  }
0xbf: {  	[tilespmem:s9+$0xE100] =	vst v8  }
0xc0: {  	v27 =	vld [tilespmem:$0x1FF10];
	v9 =	vor.u32 v26, v5;
	[tilespmem:s20+$0xE200] =	vst v15  }
0xc1: {  	v63 =	vld.idx.msk [tilespmem:v16+s12+$0x0], $0xffff;
	[tilespmem:s24+$0xE260] =	vst v0  }
0xc2: {  	v6 =	vld.idx.msk [tilespmem:v6+s12+$0x0], $0xffff  }
0xc3: {  	[tilespmem:s24+$0xE1C0] =	vst v18;
	v54 =	vor.u32 v20, v55;
	v20 =	vld [tilespmem:$0x1FED0]  }
0xc4: {  	v18 =	vor.u32 v24, v5;
	v5 =	vor.u32 v36, v5;
	v36 =	vmovc v11;
	v19 =	vor.u32 v11, v54;
	v11 =	vld [tilespmem:$0x1FFA0]  }
0xc5: {  	v9 =	vld.idx.msk [tilespmem:v9+s12+$0x0], $0xffff  }
0xc6: {  	v14 =	vld.idx.msk [tilespmem:v14+s12+$0x0], $0xffff  }
0xc7: {  	v0 =	vld [tilespmem:$0x1FEE0]  }
0xc8: {  	[tilespmem:s20+$0xE210] =	vst v6;
	v6 =	vld [tilespmem:$0x1FE90]  }
0xc9: {  	v55 =	vor.u32 v20, v61;
	v61 =	vld.idx.msk [tilespmem:v49+s12+$0x0], $0xffff;
	v10 =	vor.u32 v11, v10  }
0xca: {  	v16 =	vor.u32 v25, v54;
	v49 =	vmov v12;
	[tilespmem:s15+$0xE100] =	vst v17;
	v17 =	vld.idx.msk [tilespmem:v47+s12+$0x0], $0xffff;
	v8 =	vor.u32 v25, v10  }
0xcb: {  	v12 =	vor.u32 v60, v54;
	s15 =	sor.u32 $0x430, s31;
	v11 =	vor.u32 v35, v54;
	v15 =	vor.u32 v60, v55;
	v54 =	vld.idx.msk [tilespmem:v59+s12+$0x0], $0xffff  }
0xcc: {  	[tilespmem:s15+$0xE100] =	vst v57;
	v21 =	vor.u32 v36, v55;
	v29 =	vor.u32 v35, v55;
	v23 =	vor.u32 v25, v55;
	v55 =	vld [tilespmem:$0x1FFB0]  }
0xcd: {  	v47 =	vmov v7;
	v7 =	vor.u32 v60, v10;
	[tilespmem:s20+$0xE290] =	vst v63;
	v63 =	vld [tilespmem:$0x1FEF0]  }
0xce: {  	[tilespmem:s24+$0xE1D0] =	vst v61;
	v61 =	vld [tilespmem:$0x1FF00]  }
0xcf: {  	[tilespmem:s24+$0xE160] =	vst v9;
	v8 =	vld.idx.msk [tilespmem:v8+s12+$0x0], $0xffff  }
0xd0: {  	[tilespmem:s20+$0xE110] =	vst v14;
	v5 =	vld.idx.msk [tilespmem:v5+s12+$0x0], $0xffff  }
0xd1: {  	v20 =	vor.u32 v36, v10;
	v10 =	vor.u32 v35, v10;
	v13 =	vor.u32 v55, v62;
	v55 =	vld.idx.msk [tilespmem:v43+s12+$0x0], $0xffff  }
0xd2: {  	[tilespmem:s24+$0xE2D0] =	vst v17;
	v7 =	vld.idx.msk [tilespmem:v7+s12+$0x0], $0xffff  }
0xd3: {  	[tilespmem:s20+$0xE180] =	vst v54;
	v9 =	vld.idx.msk [tilespmem:v18+s12+$0x0], $0xffff  }
0xd4: {  	v57 =	vor.u32 v25, v13;
	[tilespmem:s20+$0xE2A0] =	vst v8;
	v8 =	vld [tilespmem:$0x1FFF0]  }
0xd5: {  	v59 =	vadd.s32 v27, v1;
	v27 =	vld.idx.msk [tilespmem:v3+s12+$0x0], $0xffff;
	[tilespmem:s24+$0xE1E0] =	vst v5  }
0xd6: {  	v0 =	vadd.s32 v0, v1;
	v1 =	vadd.s32 v6, v1;
	v6 =	vld.idx.msk [tilespmem:v10+s12+$0x0], $0xffff;
	[tilespmem:s24+$0xE170] =	vst v55  }
0xd7: {  	v14 =	vor.u32 v60, v13;
	v5 =	vld.idx.msk [tilespmem:v44+s12+$0x0], $0xffff;
	[tilespmem:s20+$0xE120] =	vst v7  }
0xd8: {  	v43 =	vmov v12;
	v12 =	vor.u32 v36, v13;
	v7 =	vld.idx.msk [tilespmem:v42+s12+$0x0], $0xffff  }
0xd9: {  	v13 =	vor.u32 v35, v13;
	v1 =	vor.u32 v8, v1;
	v8 =	vld.idx.msk [tilespmem:v57+s12+$0x0], $0xffff;
	[tilespmem:s24+$0xE2E0] =	vst v9  }
0xda: {  	v0 =	vor.u32 v61, v0;
	[tilespmem:s20+$0xE190] =	vst v27;
	v61 =	vor.u32 v60, v1;
	v9 =	vld.idx.msk [tilespmem:v41+s12+$0x0], $0xffff  }
0xdb: {  	v57 =	vor.u32 v36, v1;
	v55 =	vor.u32 v35, v1;
	v54 =	vor.u32 v25, v1;
	v1 =	vld.idx.msk [tilespmem:v45+s12+$0x0], $0xffff  }
0xdc: {  	v10 =	vld.idx.msk [tilespmem:v14+s12+$0x0], $0xffff;
	[tilespmem:s24+$0xE1F0] =	vst v5  }
0xdd: {  	v45 =	vmov v11;
	v11 =	vld.idx.msk [tilespmem:v20+s12+$0x0], $0xffff;
	[tilespmem:s20+$0xE220] =	vst v6  }
0xde: {  	v44 =	vmov v19;
	v19 =	vld.idx.msk [tilespmem:v39+s12+$0x0], $0xffff;
	[tilespmem:s20+$0xE2B0] =	vst v8  }
0xdf: {  	v13 =	vld.idx.msk [tilespmem:v13+s12+$0x0], $0xffff;
	[tilespmem:s24+$0xE2F0] =	vst v9  }
0xe0: {  	s15 =	sor.u32 $0x400, s7;
	[tilespmem:s24+$0xE270] =	vst v1;
	v1 =	vld.idx.msk [tilespmem:v38+s12+$0x0], $0xffff  }
0xe1: {  	s11 =	sadd.s32 $0x4, s11;
	[tilespmem:s15+$0xE100] =	vst v7;
	s24 =	smov.u32 s20;
	v38 =	vmov v23;
	v23 =	vld [tilespmem:$0x1FEA0]  }
0xe2: {  	p2 =	slt.u32 s11, $0x6C;
	v59 =	vor.u32 v63, v59;
	v5 =	vld.idx.msk [tilespmem:v40+s12+$0x0], $0xffff;
	[tilespmem:s24+$0xE130] =	vst v10  }
.Ltmp0:
0xe3: {  	v62 =	vor.u32 v36, v59;
	v63 =	vor.u32 v35, v59;
	v6 =	vld.idx.msk [tilespmem:v46+s12+$0x0], $0xffff;
	(pc) =	sbr.rel @p2 .LBB2_3-.Ltmp0, $4  }
0xe4: {  	s28 =	smov.u32 s3;
	v17 =	vor.u32 v60, v0;
	v28 =	vor.u32 v36, v0;
	[tilespmem:s24+$0xE1A0] =	vst v11;
	v9 =	vld.idx.msk [tilespmem:v4+s12+$0x0], $0xffff  }
0xe5: {  	v56 =	vadd.s32 $0x4, v56;
	s3 =	smov.u32 s18;
	s18 =	sor.u32 $0x400, s2;
	s31 =	smov.u32 s0;
	v3 =	vor.u32 v25, v0;
	v0 =	vor.u32 v35, v0;
	[tilespmem:s24+$0xE230] =	vst v13;
	v4 =	vld.idx.msk [tilespmem:v12+s12+$0x0], $0xffff  }
0xe6: {  	v42 =	vmovc v15;
	v41 =	vmov v16;
	v39 =	vmov v21;
	v8 =	vor.u32 v26, v32;
	s20 =	sor.u32 $0x400, s31;
	[tilespmem:s18+$0xE100] =	vst v19;
	v2 =	vld.idx.msk [tilespmem:v2+s12+$0x0], $0xffff  }
0xe7: {  	s9 =	sor.u32 $0x400, s28;
	s0 =	smov.u32 s1;
	v26 =	vmovc v60;
	v40 =	vmovc v29;
	v11 =	vmov v30;
	v46 =	vmov v17;
	v7 =	vld.idx.msk [tilespmem:v48+s12+$0x0], $0xffff;
	v48 =	vmov v28;
	[tilespmem:s20+$0xE100] =	vst v1  }
0xe8: {  	v56 =	vld [tilespmem:$0x1FFF0]  }
0xe9: {  	v60 =	vld [tilespmem:$0x1FF50]  }
0xea: {  	v27 =	vld [tilespmem:$0x1FF20]  }
0xeb: {  	v29 =	vld [tilespmem:$0x1FF40]  }
0xec: {  	v21 =	vld [tilespmem:$0x1FFE0]  }
0xed: {  	v20 =	vld [tilespmem:$0x1FFC0]  }
0xee: {  	v19 =	vld [tilespmem:$0x1FFB0]  }
0xef: {  	v28 =	vld [tilespmem:$0x1FF90]  }
0xf0: {  	v18 =	vld [tilespmem:$0x1FFA0]  }
0xf1: {  	v17 =	vld [tilespmem:$0x1FFD0]  }
0xf2: {  	v16 =	vld [tilespmem:$0x1FF80]  }
0xf3: {  	v15 =	vld [tilespmem:$0x1FF70]  }
0xf4: {  	v14 =	vld [tilespmem:$0x1FF60]  }
0xf5: {  	[tilespmem:s24+$0xE1B0] =	vst v4;
	v4 =	vld.idx.msk [tilespmem:v53+s12+$0x0], $0xffff  }
0xf6: {  	v1 =	vld.idx.msk [tilespmem:v51+s12+$0x0], $0xffff;
	_ =	sdelay $0x1  }
0xf7: {  	[tilespmem:s24+$0xE140] =	vst v9  }
0xf8: {  	v9 =	vor.u32 v11, v58;
	v10 =	vld.idx.msk [tilespmem:v52+s12+$0x0], $0xffff;
	[tilespmem:s24+$0xE240] =	vst v2  }
0xf9: {  	v51 =	vor.u32 v26, v9;
	v53 =	vld.idx.msk [tilespmem:v50+s12+$0x0], $0xffff;
	[tilespmem:s24+$0xE2C0] =	vst v4  }
0xfa: {  	v12 =	vor.u32 v35, v9;
	[tilespmem:s24+$0xE1C0] =	vst v1;
	v13 =	vld.idx.msk [tilespmem:v47+s12+$0x0], $0xffff  }
0xfb: {  	[tilespmem:s9+$0xE100] =	vst v5;
	v58 =	vor.u32 v36, v9;
	v9 =	vor.u32 v25, v9;
	v52 =	vld.idx.msk [tilespmem:v49+s12+$0x0], $0xffff  }
0xfc: {  	[tilespmem:s10+$0xE100] =	vst v6  }
0xfd: {  	v37 =	vld.idx.msk [tilespmem:v37+s12+$0x0], $0xffff;
	[tilespmem:s24+$0xE150] =	vst v10  }
0xfe: {  	v1 =	vld.idx.msk [tilespmem:v51+s12+$0x0], $0xffff;
	[tilespmem:s24+$0xE250] =	vst v53  }
0xff: {  	v35 =	vld.idx.msk [tilespmem:v12+s12+$0x0], $0xffff;
	[tilespmem:s24+$0xE2D0] =	vst v13  }
0x100: {  	s1 =	sor.u32 $0x410, s2;
	[tilespmem:s24+$0xE1D0] =	vst v52;
	v5 =	vld.idx.msk [tilespmem:v9+s12+$0x0], $0xffff  }
0x101: {  	s4 =	sor.u32 $0x410, s28;
	[tilespmem:s1+$0xE100] =	vst v7;
	v2 =	vld.idx.msk [tilespmem:v58+s12+$0x0], $0xffff  }
0x102: {  	v36 =	vld.idx.msk [tilespmem:v33+s12+$0x0], $0xffff;
	[tilespmem:s4+$0xE100] =	vst v37  }
0x103: {  	v50 =	vld.idx.msk [tilespmem:v34+s12+$0x0], $0xffff;
	[tilespmem:s24+$0xE160] =	vst v1  }
0x104: {  	v49 =	vor.u32 v24, v32;
	v1 =	vld.idx.msk [tilespmem:v43+s12+$0x0], $0xffff;
	[tilespmem:s24+$0xE260] =	vst v35  }
0x105: {  	v4 =	vld.idx.msk [tilespmem:v45+s12+$0x0], $0xffff;
	[tilespmem:s24+$0xE2E0] =	vst v5  }
0x106: {  	s20 =	sor.u32 $0x410, s31;
	[tilespmem:s24+$0xE1E0] =	vst v2;
	v5 =	vld.idx.msk [tilespmem:v41+s12+$0x0], $0xffff  }
0x107: {  	s26 =	sor.u32 $0x420, s2;
	[tilespmem:s20+$0xE100] =	vst v36;
	v2 =	vld.idx.msk [tilespmem:v44+s12+$0x0], $0xffff  }
0x108: {  	v47 =	vld.idx.msk [tilespmem:v8+s12+$0x0], $0xffff;
	[tilespmem:s26+$0xE100] =	vst v50  }
0x109: {  	v51 =	vld.idx.msk [tilespmem:v49+s12+$0x0], $0xffff;
	[tilespmem:s24+$0xE170] =	vst v1  }
0x10a: {  	v1 =	vld.idx.msk [tilespmem:v42+s12+$0x0], $0xffff;
	[tilespmem:s24+$0xE270] =	vst v4  }
0x10b: {  	v4 =	vld.idx.msk [tilespmem:v40+s12+$0x0], $0xffff;
	[tilespmem:s24+$0xE2F0] =	vst v5  }
0x10c: {  	s25 =	sor.u32 $0x420, s7;
	[tilespmem:s24+$0xE1F0] =	vst v2;
	v5 =	vld.idx.msk [tilespmem:v38+s12+$0x0], $0xffff  }
0x10d: {  	s15 =	sor.u32 $0x420, s31;
	[tilespmem:s25+$0xE100] =	vst v47;
	v2 =	vld.idx.msk [tilespmem:v39+s12+$0x0], $0xffff  }
0x10e: {  	s4 =	sor.u32 $0x400, s29;
	v52 =	vld.idx.msk [tilespmem:v31+s12+$0x0], $0xffff;
	[tilespmem:s15+$0xE100] =	vst v51  }
0x10f: {  	s10 =	sor.u32 $0x400, s3;
	[tilespmem:s4+$0xE100] =	vst v1  }
0x110: {  	s11 =	sor.u32 $0x400, s0;
	[tilespmem:s10+$0xE100] =	vst v4  }
0x111: {  	s9 =	sor.u32 $0x400, s30;
	[tilespmem:s11+$0xE100] =	vst v5  }
0x112: {  	s18 =	sor.u32 $0x420, s28;
	[tilespmem:s9+$0xE100] =	vst v2  }
0x113: {  	v4 =	vld [tilespmem:$0x1FE30];
	[tilespmem:s18+$0xE100] =	vst v52  }
0x114: {  	v6 =	vld [tilespmem:$0x1FE40];
	_ =	sdelay $0x2  }
0x115: {  	v1 =	vld.idx.msk [tilespmem:v46+s12+$0x0], $0xffff  }
0x116: {  	v53 =	vor.u32 v26, v59;
	v0 =	vld.idx.msk [tilespmem:v0+s12+$0x0], $0xffff  }
0x117: {  	v3 =	vld.idx.msk [tilespmem:v3+s12+$0x0], $0xffff  }
0x118: {  	v59 =	vor.u32 v25, v59;
	v58 =	vld.idx.msk [tilespmem:v48+s12+$0x0], $0xffff  }
0x119: {  	v4 =	vld.idx.msk [tilespmem:v4+s12+$0x0], $0xffff  }
0x11a: {  	s24 =	sor.u32 $0x410, s3;
	[tilespmem:s19+$0xE100] =	vst v1;
	v6 =	vld.idx.msk [tilespmem:v6+s12+$0x0], $0xffff  }
0x11b: {  	s25 =	sor.u32 $0x410, s0;
	[tilespmem:s24+$0xE100] =	vst v0;
	v1 =	vld.idx.msk [tilespmem:v53+s12+$0x0], $0xffff  }
0x11c: {  	s20 =	sor.u32 $0x410, s30;
	v0 =	vld.idx.msk [tilespmem:v63+s12+$0x0], $0xffff;
	[tilespmem:s25+$0xE100] =	vst v3  }
0x11d: {  	s26 =	sor.u32 $0x430, s7;
	[tilespmem:s20+$0xE100] =	vst v58;
	v3 =	vld.idx.msk [tilespmem:v59+s12+$0x0], $0xffff  }
0x11e: {  	s7 =	sor.u32 $0x430, s2;
	v62 =	vld.idx.msk [tilespmem:v62+s12+$0x0], $0xffff;
	[tilespmem:s26+$0xE100] =	vst v4  }
0x11f: {  	v4 =	vld [tilespmem:$0x1FE50];
	[tilespmem:s7+$0xE100] =	vst v6  }
0x120: {  	v63 =	vld [tilespmem:$0x1FE60]  }
0x121: {  	s9 =	sor.u32 $0x420, s29  }
0x122: {  	s10 =	sor.u32 $0x420, s30;
	[tilespmem:s9+$0xE100] =	vst v1  }
0x123: {  	s11 =	sor.u32 $0x420, s3;
	[tilespmem:s10+$0xE100] =	vst v62;
	v1 =	vld.idx.msk [tilespmem:v61+s12+$0x0], $0xffff  }
0x124: {  	s15 =	sor.u32 $0x420, s0;
	[tilespmem:s11+$0xE100] =	vst v0;
	v2 =	vld.idx.msk [tilespmem:v57+s12+$0x0], $0xffff  }
0x125: {  	[tilespmem:s15+$0xE100] =	vst v3;
	v0 =	vld.idx.msk [tilespmem:v55+s12+$0x0], $0xffff  }
0x126: {  	v3 =	vld.idx.msk [tilespmem:v54+s12+$0x0], $0xffff  }
0x127: {  	s20 =	sor.u32 $0x430, s29;
	v4 =	vld.idx.msk [tilespmem:v4+s12+$0x0], $0xffff  }
0x128: {  	s24 =	sor.u32 $0x430, s30;
	[tilespmem:s20+$0xE100] =	vst v1;
	v5 =	vld.idx.msk [tilespmem:v63+s12+$0x0], $0xffff  }
0x129: {  	p1 =	sne.s32 s21, $0x1B;
	s25 =	sor.u32 $0x430, s3;
	[tilespmem:s24+$0xE100] =	vst v2  }
.Ltmp1:
0x12a: {  	s18 =	sor.u32 $0x430, s28;
	s28 =	sor.u32 $0x430, s0;
	[tilespmem:s25+$0xE100] =	vst v0;
	(pc) =	sbr.rel @p1 .LBB2_6-.Ltmp1, $4  }
0x12b: {  	s26 =	sadd.s32 s8, s23;
	[tilespmem:s28+$0xE100] =	vst v3  }
0x12c: {  	s19 =	sor.u32 $0x430, s31;
	s29 =	sshll.u32 s26, $0x5;
	[tilespmem:s18+$0xE100] =	vst v4  }
0x12d: {  	s31 =	simm.s32 $0xE100;
	s30 =	sadd.s32 s6, s29;
	[tilespmem:s19+$0xE100] =	vst v5  }
0x12e: {  	[hbm4b:s30+s5] =	stream.linear.scatter [tilespmem:s31], [sflag:$0x3], $0x7000, $0x38;
	[tilespmem:$0x1C100] =	vst v63  }
.Ltmp2:
0x12f: {  	(pc) =	sbr.rel .LBB2_7-.Ltmp2, $4  }
0x130: {  	_ = 	snop  }
0x131: {  	_ =	swait.ge [sflag:s16], $0x7000  }
0x132: {  	v48 =	vmovc v15;
	v57 =	vmov v16;
	v58 =	vmov v17;
	v61 =	vmov v18;
	[sflag:s16] =	ssyncset.done $0x0  }
0x133: {  	v16 =	vmovc v28;
	v55 =	vmovc v19;
	v59 =	vmov v20;
	v51 =	vmov v21;
	v18 =	vmov v29;
	v62 =	vld [tilespmem:$0x1FE90];
	[sflag:s16] =	ssyncadd.s32 $0xFFFF9000  }
.LBB2_6:
0x134: {  	s0 =	rddreg [dreg:$0x6]  }
0x135: {  	s0 =	sadd.s32 s23, s0  }
0x136: {  	s1 =	rddreg [dreg:$0x0];
	s0 =	sshll.u32 s0, $0x5  }
.Ltmp3:
0x137: {  	s0 =	sadd.s32 s1, s0;
	(pc) =	sbr.rel @p0 .LBB2_8-.Ltmp3, $4  }
0x138: {  	[tilespmem:s12], [sflag:$0x1] =	stream.linear.gather [hbm4b:s0+s5], $0x7000, $0x38;
	[tilespmem:$0x1C100] =	vst v63  }
0x139: {  	_ =	swait.ge [sflag:s16], $0x7000  }
0x13a: {  	v48 =	vmovc v15;
	v57 =	vmov v16;
	v58 =	vmov v17;
	v61 =	vmov v18;
	[sflag:s16] =	ssyncset.done $0x0  }
0x13b: {  	v16 =	vmovc v28;
	v55 =	vmovc v19;
	v59 =	vmov v20;
	v51 =	vmov v21;
	v18 =	vmov v29;
	v62 =	vld [tilespmem:$0x1FE90];
	[sflag:s16] =	ssyncadd.s32 $0xFFFF9000  }
.LBB2_7:
0x13c: {  	_ =	swait.ge [sflag:s17], $0x7000  }
0x13d: {  	[sflag:s17] =	ssyncset.done $0x0  }
0x13e: {  	[sflag:s17] =	ssyncadd.s32 $0xFFFF9000  }
.LBB2_8:
0x13f: {  	v1 =	vimm.s32 $0x0  }
0x140: {  	v0 =	vshll.u32 v1, $0x8  }
0x141: {  	v2 =	vshll.u32 v1, $0x7;
	v0 =	vand.u32 $0xFFFFF800, v0  }
0x142: {  	v29 =	vand.u32 $0x200, v2;
	v3 =	vadd.s32 v48, v0  }
0x143: {  	v28 =	vor.u32 $0x180, v29;
	v2 =	vor.u32 v14, v3  }
0x144: {  	v31 =	vor.u32 $0x80, v29;
	v3 =	vor.u32 v28, v2  }
0x145: {  	v4 =	vor.u32 v31, v2;
	_ =	sdelay $0x1  }
0x146: {  	v32 =	vor.u32 $0x100, v29  }
0x147: {  	v5 =	vadd.s32 v58, v0;
	v7 =	vor.u32 v32, v2  }
0x148: {  	v5 =	vor.u32 v57, v5;
	v2 =	vor.u32 v29, v2;
	v3 =	vld.idx.msk [tilespmem:v3+s13+$0x0], $0xffff  }
0x149: {  	s0 =	simm.s32 $0x0;
	v6 =	vor.u32 v28, v5;
	v4 =	vld.idx.msk [tilespmem:v4+s13+$0x0], $0xffff  }
0x14a: {  	s1 =	sand.u32 $0x7800, s0;
	s0 =	sand.u32 $0x200, s0;
	v8 =	vor.u32 v31, v5  }
0x14b: {  	s1 =	sor.u32 s0, s1  }
0x14c: {  	s0 =	sadd.s32 $0x15100, s1;
	v7 =	vld.idx.msk [tilespmem:v7+s13+$0x0], $0xffff  }
0x14d: {  	v9 =	vadd.s32 v16, v0;
	v10 =	vor.u32 v32, v5;
	v2 =	vld.idx.msk [tilespmem:v2+s13+$0x0], $0xffff;
	[tilespmem:s0+$0x180] =	vst v3  }
0x14e: {  	v3 =	vor.u32 v61, v9;
	[tilespmem:s0+$0x80] =	vst v4;
	v4 =	vor.u32 v29, v5;
	v6 =	vld.idx.msk [tilespmem:v6+s13+$0x0], $0xffff  }
0x14f: {  	v9 =	vor.u32 v28, v3;
	v5 =	vld.idx.msk [tilespmem:v8+s13+$0x0], $0xffff  }
0x150: {  	v8 =	vor.u32 v31, v3  }
0x151: {  	[tilespmem:s0+$0x100] =	vst v7  }
0x152: {  	[tilespmem:s1+$0x15100] =	vst v2;
	v2 =	vld.idx.msk [tilespmem:v10+s13+$0x0], $0xffff  }
0x153: {  	v11 =	vadd.s32 v59, v0;
	v10 =	vor.u32 v32, v3;
	v4 =	vld.idx.msk [tilespmem:v4+s13+$0x0], $0xffff;
	[tilespmem:s0+$0x190] =	vst v6  }
0x154: {  	v3 =	vor.u32 v29, v3;
	v6 =	vor.u32 v55, v11;
	[tilespmem:s0+$0x90] =	vst v5;
	v7 =	vld.idx.msk [tilespmem:v9+s13+$0x0], $0xffff  }
0x155: {  	v9 =	vor.u32 v28, v6;
	v5 =	vld.idx.msk [tilespmem:v8+s13+$0x0], $0xffff  }
0x156: {  	v8 =	vor.u32 v31, v6  }
0x157: {  	[tilespmem:s0+$0x110] =	vst v2  }
0x158: {  	[tilespmem:s0+$0x10] =	vst v4;
	v4 =	vld.idx.msk [tilespmem:v10+s13+$0x0], $0xffff  }
0x159: {  	v11 =	vadd.s32 v18, v0;
	v10 =	vor.u32 v32, v6;
	v3 =	vld.idx.msk [tilespmem:v3+s13+$0x0], $0xffff;
	[tilespmem:s0+$0x1A0] =	vst v7  }
0x15a: {  	v7 =	vor.u32 v51, v11;
	[tilespmem:s0+$0xA0] =	vst v5;
	v5 =	vor.u32 v29, v6;
	v2 =	vld.idx.msk [tilespmem:v9+s13+$0x0], $0xffff  }
0x15b: {  	v9 =	vor.u32 v28, v7;
	v6 =	vld.idx.msk [tilespmem:v8+s13+$0x0], $0xffff  }
0x15c: {  	v8 =	vor.u32 v31, v7  }
0x15d: {  	[tilespmem:s0+$0x120] =	vst v4  }
0x15e: {  	[tilespmem:s0+$0x20] =	vst v3;
	v3 =	vld.idx.msk [tilespmem:v10+s13+$0x0], $0xffff  }
0x15f: {  	v11 =	vadd.s32 v23, v0;
	v10 =	vor.u32 v32, v7;
	v5 =	vld.idx.msk [tilespmem:v5+s13+$0x0], $0xffff;
	[tilespmem:s0+$0x1B0] =	vst v2  }
0x160: {  	v2 =	vor.u32 v22, v11;
	[tilespmem:s0+$0xB0] =	vst v6;
	v6 =	vor.u32 v29, v7;
	v4 =	vld.idx.msk [tilespmem:v9+s13+$0x0], $0xffff  }
0x161: {  	v9 =	vor.u32 v28, v2;
	v7 =	vld.idx.msk [tilespmem:v8+s13+$0x0], $0xffff  }
0x162: {  	v8 =	vor.u32 v31, v2  }
0x163: {  	[tilespmem:s0+$0x130] =	vst v3  }
0x164: {  	[tilespmem:s0+$0x30] =	vst v5;
	v5 =	vld.idx.msk [tilespmem:v10+s13+$0x0], $0xffff  }
0x165: {  	v11 =	vadd.s32 v27, v0;
	v10 =	vor.u32 v32, v2;
	v6 =	vld.idx.msk [tilespmem:v6+s13+$0x0], $0xffff;
	[tilespmem:s0+$0x1C0] =	vst v4  }
0x166: {  	v40 =	vadd.s32 $0x4, v1;
	v2 =	vor.u32 v29, v2;
	v4 =	vor.u32 v30, v11;
	[tilespmem:s0+$0xC0] =	vst v7;
	v3 =	vld.idx.msk [tilespmem:v9+s13+$0x0], $0xffff  }
0x167: {  	v1 =	vshll.u32 v40, $0x8;
	v9 =	vor.u32 v28, v4;
	v8 =	vld.idx.msk [tilespmem:v8+s13+$0x0], $0xffff  }
0x168: {  	v1 =	vand.u32 $0xFFFFF800, v1;
	v7 =	vshll.u32 v40, $0x7  }
0x169: {  	v34 =	vmov v27;
	v11 =	vadd.s32 v48, v1;
	v24 =	vand.u32 $0x200, v7;
	[tilespmem:s0+$0x140] =	vst v5  }
0x16a: {  	v7 =	vor.u32 v31, v4;
	v11 =	vor.u32 v14, v11;
	v27 =	vor.u32 $0x80, v24;
	[tilespmem:s0+$0x40] =	vst v6;
	v10 =	vld.idx.msk [tilespmem:v10+s13+$0x0], $0xffff  }
0x16b: {  	v26 =	vor.u32 $0x180, v24;
	v6 =	vor.u32 v27, v11;
	v2 =	vld.idx.msk [tilespmem:v2+s13+$0x0], $0xffff;
	[tilespmem:s0+$0x1D0] =	vst v3  }
0x16c: {  	v25 =	vor.u32 $0x100, v24;
	v3 =	vor.u32 v26, v11;
	[tilespmem:s0+$0xD0] =	vst v8;
	v5 =	vld.idx.msk [tilespmem:v9+s13+$0x0], $0xffff  }
0x16d: {  	v9 =	vor.u32 v25, v11;
	v36 =	vld [tilespmem:$0x1FEC0]  }
0x16e: {  	v37 =	vld [tilespmem:$0x1FEB0]  }
0x16f: {  	v8 =	vor.u32 v32, v4;
	v7 =	vld.idx.msk [tilespmem:v7+s13+$0x0], $0xffff  }
0x170: {  	v12 =	vadd.s32 v58, v1;
	v11 =	vor.u32 v24, v11;
	v6 =	vld.idx.msk [tilespmem:v6+s13+$0x0], $0xffff  }
0x171: {  	s25 =	simm.s32 $0x200;
	s26 =	simm.s32 $0x400;
	v12 =	vor.u32 v57, v12;
	v4 =	vor.u32 v29, v4;
	[tilespmem:s0+$0x150] =	vst v10;
	v3 =	vld.idx.msk [tilespmem:v3+s13+$0x0], $0xffff  }
0x172: {  	s4 =	sand.u32 $0x7800, s26;
	s2 =	sand.u32 $0x200, s25;
	v39 =	vor.u32 v26, v12;
	[tilespmem:s0+$0x50] =	vst v2;
	v13 =	vadd.s32 v36, v0;
	v9 =	vld.idx.msk [tilespmem:v9+s13+$0x0], $0xffff  }
0x173: {  	s1 =	sor.u32 s2, s4;
	[tilespmem:s0+$0x1E0] =	vst v5;
	v13 =	vor.u32 v37, v13  }
0x174: {  	s24 =	sadd.s32 $0x15100, s1;
	v8 =	vld.idx.msk [tilespmem:v8+s13+$0x0], $0xffff;
	[tilespmem:s0+$0xE0] =	vst v7;
	v5 =	vor.u32 v28, v13  }
0x175: {  	v11 =	vld.idx.msk [tilespmem:v11+s13+$0x0], $0xffff;
	v10 =	vor.u32 v31, v13;
	[tilespmem:s24+$0x80] =	vst v6  }
0x176: {  	v2 =	vor.u32 v24, v12;
	[tilespmem:s24+$0x180] =	vst v3;
	v3 =	vld.idx.msk [tilespmem:v4+s13+$0x0], $0xffff  }
0x177: {  	v15 =	vor.u32 v32, v13;
	[tilespmem:s24+$0x100] =	vst v9;
	v9 =	vld.idx.msk [tilespmem:v39+s13+$0x0], $0xffff  }
0x178: {  	v41 =	vor.u32 v27, v12;
	v44 =	vld [tilespmem:$0x1FED0]  }
0x179: {  	v13 =	vor.u32 v29, v13;
	v5 =	vld.idx.msk [tilespmem:v5+s13+$0x0], $0xffff  }
0x17a: {  	[tilespmem:s1+$0x15100] =	vst v11;
	v10 =	vld.idx.msk [tilespmem:v10+s13+$0x0], $0xffff  }
0x17b: {  	[tilespmem:s0+$0x160] =	vst v8;
	v2 =	vld.idx.msk [tilespmem:v2+s13+$0x0], $0xffff  }
0x17c: {  	v4 =	vadd.s32 v16, v1;
	v8 =	vor.u32 v25, v12;
	v43 =	vld.idx.msk [tilespmem:v15+s13+$0x0], $0xffff;
	[tilespmem:s0+$0x60] =	vst v3  }
0x17d: {  	v46 =	vld.idx.msk [tilespmem:v41+s13+$0x0], $0xffff;
	v4 =	vor.u32 v61, v4;
	[tilespmem:s24+$0x190] =	vst v9  }
0x17e: {  	v7 =	vadd.s32 v60, v0;
	v9 =	vor.u32 v24, v4;
	v13 =	vld.idx.msk [tilespmem:v13+s13+$0x0], $0xffff;
	[tilespmem:s0+$0x1F0] =	vst v5  }
0x17f: {  	v6 =	vor.u32 v44, v7;
	v7 =	vor.u32 v26, v4;
	v54 =	vld [tilespmem:$0x1FEE0];
	[tilespmem:s0+$0xF0] =	vst v10  }
0x180: {  	v35 =	vmov v30;
	v47 =	vor.u32 v27, v4;
	v30 =	vld [tilespmem:$0x1FF10];
	[tilespmem:s24+$0x10] =	vst v2  }
0x181: {  	v8 =	vld.idx.msk [tilespmem:v8+s13+$0x0], $0xffff;
	v11 =	vor.u32 v28, v6;
	[tilespmem:s0+$0x170] =	vst v43  }
0x182: {  	v3 =	vor.u32 v31, v6;
	v21 =	vld [tilespmem:$0x1FF00]  }
0x183: {  	v45 =	vor.u32 v29, v6;
	v6 =	vor.u32 v32, v6;
	v9 =	vld.idx.msk [tilespmem:v9+s13+$0x0], $0xffff  }
0x184: {  	[tilespmem:s24+$0x90] =	vst v46;
	v7 =	vld.idx.msk [tilespmem:v7+s13+$0x0], $0xffff  }
0x185: {  	p0 =	por $0x0, $0x0;
	v17 =	vadd.s32 v59, v1;
	s1 =	simm.s32 $0x1;
	[tilespmem:s0+$0x70] =	vst v13;
	v16 =	vld.idx.msk [tilespmem:v47+s13+$0x0], $0xffff  }
0x186: {  	s1 =	simm.s32 @!p0 $0x0;
	v4 =	vor.u32 v25, v4;
	v2 =	vadd.s32 v62, v0;
	[tilespmem:s24+$0x110] =	vst v8;
	v11 =	vld.idx.msk [tilespmem:v11+s13+$0x0], $0xffff  }
0x187: {  	s1 =	sshll.u32 s1, $0x9;
	v3 =	vld.idx.msk [tilespmem:v3+s13+$0x0], $0xffff;
	v5 =	vadd.s32 v54, v0;
	v10 =	vadd.s32 v30, v0;
	v0 =	vor.u32 v55, v17  }
0x188: {  	s23 =	sadd.s32 $0x0, s1;
	v6 =	vld.idx.msk [tilespmem:v6+s13+$0x0], $0xffff;
	v49 =	vor.u32 v26, v0;
	v52 =	vor.u32 v24, v0;
	[tilespmem:s24+$0x20] =	vst v9  }
0x189: {  	s28 =	sadd.s32 $0x180, s23;
	v63 =	vor.u32 v25, v0;
	[tilespmem:s24+$0x1A0] =	vst v7;
	v7 =	vor.u32 v27, v0;
	v0 =	vld.idx.msk [tilespmem:v45+s13+$0x0], $0xffff  }
0x18a: {  	s30 =	sadd.s32 $0x80, s23;
	s7 =	sor.u32 $0x400, s28;
	[tilespmem:s24+$0xA0] =	vst v16  }
0x18b: {  	s29 =	sadd.s32 $0x100, s23;
	s9 =	sor.u32 $0x400, s30;
	v5 =	vor.u32 v21, v5;
	[tilespmem:s7+$0x15100] =	vst v11  }
0x18c: {  	s11 =	sor.u32 $0x400, s29;
	v53 =	vor.u32 v31, v5;
	[tilespmem:s9+$0x15100] =	vst v3  }
0x18d: {  	s10 =	sor.u32 $0x400, s23;
	v4 =	vld.idx.msk [tilespmem:v4+s13+$0x0], $0xffff;
	[tilespmem:s11+$0x15100] =	vst v6  }
0x18e: {  	v19 =	vor.u32 v32, v5;
	v12 =	vld.idx.msk [tilespmem:v49+s13+$0x0], $0xffff;
	[tilespmem:s10+$0x15100] =	vst v0  }
0x18f: {  	v50 =	vadd.s32 v18, v1;
	v47 =	vadd.s32 v34, v1;
	v45 =	vadd.s32 v23, v1;
	v6 =	vld [tilespmem:$0x1FEF0]  }
0x190: {  	v46 =	vor.u32 v28, v5;
	v11 =	vor.u32 v51, v50;
	v14 =	vor.u32 v22, v45;
	v13 =	vld.idx.msk [tilespmem:v52+s13+$0x0], $0xffff  }
0x191: {  	v8 =	vor.u32 v24, v11;
	v3 =	vor.u32 v26, v11;
	v9 =	vor.u32 v27, v11;
	v17 =	vld.idx.msk [tilespmem:v53+s13+$0x0], $0xffff  }
0x192: {  	v11 =	vor.u32 v25, v11;
	v20 =	vor.u32 v26, v14;
	v41 =	vor.u32 v24, v14;
	v7 =	vld.idx.msk [tilespmem:v7+s13+$0x0], $0xffff  }
0x193: {  	v43 =	vor.u32 v25, v14;
	v49 =	vor.u32 v35, v47;
	v0 =	vor.u32 v27, v14;
	v52 =	vld.idx.msk [tilespmem:v19+s13+$0x0], $0xffff  }
0x194: {  	v42 =	vor.u32 v27, v49;
	v47 =	vor.u32 v26, v49;
	[tilespmem:s24+$0x120] =	vst v4;
	v6 =	vor.u32 v6, v10  }
0x195: {  	v4 =	vadd.s32 v36, v1;
	[tilespmem:s24+$0x1B0] =	vst v12;
	v10 =	vld.idx.msk [tilespmem:v46+s13+$0x0], $0xffff;
	v50 =	vor.u32 v31, v6  }
0x196: {  	s15 =	sor.u32 $0x410, s30;
	v34 =	vor.u32 v24, v49;
	v39 =	vor.u32 v25, v49;
	v4 =	vor.u32 v37, v4;
	[tilespmem:s24+$0x30] =	vst v13  }
0x197: {  	v14 =	vld.idx.msk [tilespmem:v63+s13+$0x0], $0xffff;
	v36 =	vor.u32 v27, v4;
	[tilespmem:s15+$0x15100] =	vst v17;
	v53 =	vor.u32 v28, v6  }
0x198: {  	s19 =	sor.u32 $0x410, s29;
	v38 =	vor.u32 v26, v4;
	v13 =	vld.idx.msk [tilespmem:v3+s13+$0x0], $0xffff;
	[tilespmem:s24+$0xB0] =	vst v7;
	v7 =	vor.u32 v32, v6  }
0x199: {  	s18 =	sor.u32 $0x410, s28;
	v19 =	vmov v30;
	v30 =	vor.u32 v24, v4;
	v3 =	vadd.s32 v60, v1;
	[tilespmem:s19+$0x15100] =	vst v52;
	v60 =	vld.idx.msk [tilespmem:v8+s13+$0x0], $0xffff  }
0x19a: {  	p0 =	por !p0, !p0;
	s0 =	simm.s32 $0x1;
	v35 =	vor.u32 v25, v4;
	v8 =	vor.u32 v56, v2;
	[tilespmem:s18+$0x15100] =	vst v10;
	v10 =	vld.idx.msk [tilespmem:v50+s13+$0x0], $0xffff  }
0x19b: {  	s0 =	simm.s32 @!p0 $0x0;
	v63 =	vor.u32 v44, v3;
	v3 =	vld.idx.msk [tilespmem:v9+s13+$0x0], $0xffff;
	v50 =	vor.u32 v29, v5;
	v5 =	vor.u32 v31, v8  }
0x19c: {  	s0 =	sshll.u32 s0, $0x9;
	v4 =	vor.u32 v32, v8;
	v44 =	vor.u32 v29, v8;
	v49 =	vor.u32 v28, v8;
	v52 =	vld.idx.msk [tilespmem:v53+s13+$0x0], $0xffff  }
0x19d: {  	s20 =	sor.u32 $0x420, s30;
	s0 =	sadd.s32 $0x400, s0;
	v2 =	vor.u32 v29, v6;
	v32 =	vor.u32 v27, v63;
	[tilespmem:s24+$0x1C0] =	vst v13;
	v53 =	vld.idx.msk [tilespmem:v7+s13+$0x0], $0xffff  }
0x19e: {  	v40 =	vadd.s32 $0x4, v40;
	s31 =	sadd.s32 $0x80, s0;
	s2 =	sadd.s32 $0x100, s0;
	s3 =	sadd.s32 $0x180, s0;
	v37 =	vor.u32 v26, v63;
	[tilespmem:s24+$0x130] =	vst v14;
	v33 =	vor.u32 v25, v63;
	v7 =	vld.idx.msk [tilespmem:v20+s13+$0x0], $0xffff  }
0x19f: {  	s7 =	sor.u32 $0x420, s29;
	s11 =	simm.s32 $0x4;
	s9 =	sor.u32 $0x410, s23;
	v6 =	vadd.s32 v54, v1;
	v28 =	vadd.s32 v62, v1;
	v54 =	vmov v57;
	v8 =	vld.idx.msk [tilespmem:v11+s13+$0x0], $0xffff;
	[tilespmem:s20+$0x15100] =	vst v10  }
0x1a0: {  	s10 =	sor.u32 $0x420, s28;
	s19 =	sor.u32 $0x420, s2;
	[tilespmem:s24+$0x40] =	vst v60;
	v29 =	vor.u32 v24, v63;
	v31 =	vadd.s32 v19, v1;
	v63 =	vmov v22;
	s20 =	sor.u32 $0x420, s3;
	v5 =	vld.idx.msk [tilespmem:v5+s13+$0x0], $0xffff  }
.LBB2_9:
0x1a1: {  	v9 =	vld.idx.msk [tilespmem:v50+s13+$0x0], $0xffff  }
0x1a2: {  	v12 =	vld [tilespmem:$0x1FF60]  }
0x1a3: {  	v1 =	vshll.u32 v40, $0x8;
	v15 =	vld.idx.msk [tilespmem:v41+s13+$0x0], $0xffff;
	[tilespmem:s24+$0xC0] =	vst v3  }
0x1a4: {  	v10 =	vshll.u32 v40, $0x7;
	v1 =	vand.u32 $0xFFFFF800, v1;
	[tilespmem:s10+$0x15100] =	vst v52;
	v0 =	vld.idx.msk [tilespmem:v0+s13+$0x0], $0xffff  }
0x1a5: {  	v45 =	vand.u32 $0x200, v10;
	v10 =	vadd.s32 v58, v1;
	[tilespmem:s7+$0x15100] =	vst v53;
	v11 =	vld.idx.msk [tilespmem:v49+s13+$0x0], $0xffff  }
0x1a6: {  	s1 =	sor.u32 $0x430, s30;
	v3 =	vor.u32 v21, v6;
	v6 =	vadd.s32 v48, v1;
	[tilespmem:s24+$0x1D0] =	vst v7;
	v4 =	vld.idx.msk [tilespmem:v4+s13+$0x0], $0xffff  }
0x1a7: {  	v46 =	vor.u32 $0x180, v45;
	[tilespmem:s1+$0x15100] =	vst v5;
	v5 =	vor.u32 v54, v10;
	v10 =	vld [tilespmem:$0x1FF90];
	v6 =	vor.u32 v12, v6  }
0x1a8: {  	v57 =	vmovc v48;
	v49 =	vor.u32 $0x100, v45;
	v48 =	vor.u32 $0x80, v45;
	[tilespmem:s24+$0x140] =	vst v8;
	v8 =	vld.idx.msk [tilespmem:v47+s13+$0x0], $0xffff;
	v12 =	vor.u32 v46, v6  }
0x1a9: {  	v14 =	vld.idx.msk [tilespmem:v43+s13+$0x0], $0xffff;
	v7 =	vor.u32 v45, v6;
	v13 =	vor.u32 v48, v6;
	v6 =	vor.u32 v49, v6  }
0x1aa: {  	[tilespmem:s9+$0x15100] =	vst v9;
	v47 =	vld [tilespmem:$0x1FF40]  }
0x1ab: {  	s4 =	sor.u32 $0x430, s28;
	v9 =	vor.u32 v45, v5;
	v16 =	vor.u32 v46, v5;
	[tilespmem:s24+$0xD0] =	vst v0;
	v0 =	vld.idx.msk [tilespmem:v2+s13+$0x0], $0xffff  }
0x1ac: {  	s9 =	sor.u32 $0x430, s29;
	v17 =	vor.u32 v49, v5;
	v2 =	vor.u32 v48, v5;
	[tilespmem:s4+$0x15100] =	vst v11;
	v5 =	vld.idx.msk [tilespmem:v42+s13+$0x0], $0xffff  }
0x1ad: {  	[tilespmem:s9+$0x15100] =	vst v4;
	v12 =	vld.idx.msk [tilespmem:v12+s13+$0x0], $0xffff  }
0x1ae: {  	s15 =	sor.u32 $0x420, s23;
	v6 =	vld.idx.msk [tilespmem:v6+s13+$0x0], $0xffff;
	[tilespmem:s24+$0x1E0] =	vst v8  }
0x1af: {  	s28 =	smov.u32 s3;
	s25 =	sadd.s32 $0x200, s25;
	s26 =	sadd.s32 $0x400, s26;
	v8 =	vld.idx.msk [tilespmem:v13+s13+$0x0], $0xffff;
	[tilespmem:s24+$0x150] =	vst v14  }
0x1b0: {  	s3 =	sand.u32 $0x200, s25;
	s29 =	smov.u32 s2;
	s2 =	sand.u32 $0x7800, s26;
	v7 =	vld.idx.msk [tilespmem:v7+s13+$0x0], $0xffff;
	[tilespmem:s24+$0x50] =	vst v15  }
0x1b1: {  	s1 =	sor.u32 s3, s2;
	v20 =	vld.idx.msk [tilespmem:v39+s13+$0x0], $0xffff;
	[tilespmem:s15+$0x15100] =	vst v0  }
0x1b2: {  	s4 =	sadd.s32 $0x15100, s1;
	v22 =	vld.idx.msk [tilespmem:v44+s13+$0x0], $0xffff  }
0x1b3: {  	v14 =	vadd.s32 v47, v1;
	v50 =	vld.idx.msk [tilespmem:v34+s13+$0x0], $0xffff;
	[tilespmem:s4+$0x180] =	vst v12  }
0x1b4: {  	v0 =	vor.u32 v51, v14;
	[tilespmem:s4+$0x100] =	vst v6;
	v6 =	vld.idx.msk [tilespmem:v16+s13+$0x0], $0xffff  }
0x1b5: {  	[tilespmem:s24+$0xE0] =	vst v5;
	v5 =	vadd.s32 v23, v1;
	v14 =	vor.u32 v45, v0;
	v23 =	vld.idx.msk [tilespmem:v38+s13+$0x0], $0xffff  }
0x1b6: {  	v60 =	vor.u32 v49, v0;
	[tilespmem:s4+$0x80] =	vst v8;
	v8 =	vor.u32 v48, v0;
	v16 =	vor.u32 v46, v0;
	v0 =	vld [tilespmem:$0x1FF20]  }
0x1b7: {  	[tilespmem:s1+$0x15100] =	vst v7;
	v36 =	vld.idx.msk [tilespmem:v36+s13+$0x0], $0xffff  }
0x1b8: {  	v10 =	vadd.s32 v10, v1;
	v9 =	vld.idx.msk [tilespmem:v9+s13+$0x0], $0xffff  }
0x1b9: {  	v10 =	vor.u32 v61, v10;
	[tilespmem:s24+$0x160] =	vst v20;
	v20 =	vld [tilespmem:$0x1FF30]  }
0x1ba: {  	s18 =	sor.u32 $0x430, s23;
	v18 =	vor.u32 v46, v10;
	v7 =	vor.u32 v63, v5;
	v2 =	vld.idx.msk [tilespmem:v2+s13+$0x0], $0xffff  }
0x1bb: {  	v5 =	vor.u32 v46, v7;
	v41 =	vor.u32 v45, v7;
	v43 =	vor.u32 v49, v7;
	[tilespmem:s18+$0x15100] =	vst v22;
	v22 =	vld [tilespmem:$0x1FEC0]  }
0x1bc: {  	[tilespmem:s24+$0x60] =	vst v50;
	v52 =	vadd.s32 v0, v1;
	v0 =	vor.u32 v48, v7;
	v7 =	vld.idx.msk [tilespmem:v35+s13+$0x0], $0xffff  }
0x1bd: {  	[tilespmem:s4+$0x190] =	vst v6;
	v6 =	vld.idx.msk [tilespmem:v30+s13+$0x0], $0xffff  }
0x1be: {  	v4 =	vor.u32 v45, v10;
	[tilespmem:s4+$0x10] =	vst v9;
	v9 =	vld.idx.msk [tilespmem:v17+s13+$0x0], $0xffff  }
0x1bf: {  	v53 =	vld.idx.msk [tilespmem:v18+s13+$0x0], $0xffff  }
0x1c0: {  	[tilespmem:s24+$0x1F0] =	vst v23;
	v23 =	vld [tilespmem:$0x1FEA0]  }
0x1c1: {  	v11 =	vadd.s32 v59, v1;
	v13 =	vor.u32 v48, v10;
	[tilespmem:s24+$0xF0] =	vst v36;
	v18 =	vld [tilespmem:$0x1FEB0]  }
0x1c2: {  	v11 =	vor.u32 v55, v11;
	v20 =	vor.u32 v20, v52;
	v17 =	vld.idx.msk [tilespmem:v32+s13+$0x0], $0xffff  }
0x1c3: {  	v4 =	vld.idx.msk [tilespmem:v4+s13+$0x0], $0xffff;
	[tilespmem:s4+$0x90] =	vst v2;
	v2 =	vor.u32 v27, v3;
	v42 =	vor.u32 v48, v20  }
0x1c4: {  	v47 =	vor.u32 v46, v20;
	v34 =	vor.u32 v45, v20;
	v39 =	vor.u32 v49, v20;
	v20 =	vld [tilespmem:$0x1FF50]  }
0x1c5: {  	v15 =	vor.u32 v45, v11;
	[tilespmem:s24+$0x170] =	vst v7;
	v7 =	vld [tilespmem:$0x1FED0]  }
0x1c6: {  	s30 =	smov.u32 s31;
	v13 =	vld.idx.msk [tilespmem:v13+s13+$0x0], $0xffff;
	v22 =	vadd.s32 v22, v1  }
0x1c7: {  	v10 =	vor.u32 v49, v10;
	s18 =	sor.u32 $0x400, s30;
	[tilespmem:s24+$0x70] =	vst v6;
	v18 =	vor.u32 v18, v22;
	v22 =	vld.idx.msk [tilespmem:v37+s13+$0x0], $0xffff  }
0x1c8: {  	v19 =	vor.u32 v46, v11;
	v21 =	vor.u32 v48, v11;
	s24 =	smov.u32 s4;
	v44 =	vld.idx.msk [tilespmem:v29+s13+$0x0], $0xffff;
	[tilespmem:s18+$0x15100] =	vst v17  }
0x1c9: {  	[tilespmem:s24+$0x20] =	vst v4;
	v20 =	vadd.s32 v20, v1;
	v36 =	vor.u32 v48, v18;
	v4 =	vld.idx.msk [tilespmem:v2+s13+$0x0], $0xffff  }
0x1ca: {  	v38 =	vor.u32 v46, v18;
	v30 =	vor.u32 v45, v18;
	v15 =	vld.idx.msk [tilespmem:v15+s13+$0x0], $0xffff;
	v7 =	vor.u32 v7, v20  }
0x1cb: {  	s15 =	sor.u32 $0x400, s28;
	[tilespmem:s24+$0x1A0] =	vst v53;
	v35 =	vor.u32 v49, v18;
	v2 =	vld [tilespmem:$0x1FEF0];
	v32 =	vor.u32 v48, v7;
	v37 =	vor.u32 v46, v7  }
0x1cc: {  	v18 =	vor.u32 v49, v7;
	v29 =	vor.u32 v45, v7;
	v7 =	vld.idx.msk [tilespmem:v33+s13+$0x0], $0xffff;
	[tilespmem:s15+$0x15100] =	vst v22  }
0x1cd: {  	[tilespmem:s24+$0x110] =	vst v9;
	v9 =	vld.idx.msk [tilespmem:v19+s13+$0x0], $0xffff  }
0x1ce: {  	v19 =	vld [tilespmem:$0x1FF10]  }
0x1cf: {  	s23 =	smov.u32 s0;
	v6 =	vld [tilespmem:$0x1FEE0];
	[tilespmem:s24+$0xA0] =	vst v13;
	v20 =	vor.u32 v26, v3  }
0x1d0: {  	v50 =	vor.u32 v24, v3;
	s4 =	sor.u32 $0x400, s23;
	v17 =	vld.idx.msk [tilespmem:v21+s13+$0x0], $0xffff;
	v3 =	vor.u32 v25, v3  }
0x1d1: {  	[tilespmem:s4+$0x15100] =	vst v44;
	v10 =	vld.idx.msk [tilespmem:v10+s13+$0x0], $0xffff  }
0x1d2: {  	v11 =	vor.u32 v49, v11;
	v21 =	vld [tilespmem:$0x1FF00];
	v52 =	vor.u32 v2, v31;
	[tilespmem:s24+$0x30] =	vst v15  }
0x1d3: {  	s9 =	sor.u32 $0x400, s29;
	v33 =	vmov v18;
	v53 =	vor.u32 v27, v52;
	v14 =	vld.idx.msk [tilespmem:v14+s13+$0x0], $0xffff;
	v18 =	vadd.s32 v19, v1  }
0x1d4: {  	[tilespmem:s9+$0x15100] =	vst v7;
	v31 =	vmov v18;
	v18 =	vld.idx.msk [tilespmem:v20+s13+$0x0], $0xffff  }
0x1d5: {  	v13 =	vor.u32 v26, v52;
	[tilespmem:s24+$0x1B0] =	vst v9;
	v9 =	vld.idx.msk [tilespmem:v3+s13+$0x0], $0xffff  }
0x1d6: {  	s15 =	sor.u32 $0x410, s30;
	v7 =	vor.u32 v25, v52;
	[tilespmem:s24+$0x120] =	vst v10;
	v10 =	vld.idx.msk [tilespmem:v16+s13+$0x0], $0xffff  }
0x1d7: {  	v6 =	vadd.s32 v6, v1;
	[tilespmem:s15+$0x15100] =	vst v4;
	v11 =	vld.idx.msk [tilespmem:v11+s13+$0x0], $0xffff  }
0x1d8: {  	s11 =	sadd.s32 $0x4, s11;
	p0 =	por !p0, !p0;
	v15 =	vor.u32 v56, v28;
	s15 =	sor.u32 $0x410, s28;
	v1 =	vadd.s32 v62, v1;
	v12 =	vld.idx.msk [tilespmem:v53+s13+$0x0], $0xffff;
	[tilespmem:s24+$0xB0] =	vst v17  }
0x1d9: {  	s0 =	simm.s32 $0x1;
	p1 =	slt.u32 s11, $0x6C;
	s18 =	sor.u32 $0x410, s29;
	v28 =	vmov v1;
	v1 =	vor.u32 v27, v15;
	v3 =	vld.idx.msk [tilespmem:v8+s13+$0x0], $0xffff;
	[tilespmem:s15+$0x15100] =	vst v18  }
.Ltmp4:
0x1da: {  	s0 =	simm.s32 @!p0 $0x0;
	v2 =	vor.u32 v24, v52;
	[tilespmem:s18+$0x15100] =	vst v9;
	v52 =	vld.idx.msk [tilespmem:v13+s13+$0x0], $0xffff;
	(pc) =	sbr.rel @p1 .LBB2_9-.Ltmp4, $4  }
0x1db: {  	s0 =	sshll.u32 s0, $0x9;
	s10 =	smov.u32 s20;
	[tilespmem:s24+$0x1C0] =	vst v10;
	v53 =	vld.idx.msk [tilespmem:v7+s13+$0x0], $0xffff  }
0x1dc: {  	s7 =	smov.u32 s19;
	s0 =	sadd.s32 s0, s26;
	v4 =	vor.u32 v25, v15;
	s18 =	sor.u32 $0x420, s30;
	[tilespmem:s24+$0x130] =	vst v11;
	v7 =	vld.idx.msk [tilespmem:v5+s13+$0x0], $0xffff  }
0x1dd: {  	v40 =	vadd.s32 $0x4, v40;
	s31 =	sadd.s32 $0x80, s0;
	s2 =	sadd.s32 $0x100, s0;
	s3 =	sadd.s32 $0x180, s0;
	v44 =	vor.u32 v24, v15;
	v24 =	vmovc v45;
	v25 =	vmov v49;
	[tilespmem:s18+$0x15100] =	vst v12;
	v8 =	vld.idx.msk [tilespmem:v60+s13+$0x0], $0xffff  }
0x1de: {  	s19 =	sor.u32 $0x420, s2;
	s20 =	sor.u32 $0x420, s3;
	s9 =	sor.u32 $0x410, s23;
	v49 =	vor.u32 v26, v15;
	v26 =	vmovc v46;
	v27 =	vmov v48;
	v48 =	vmov v57;
	[tilespmem:s24+$0x40] =	vst v14;
	v5 =	vld.idx.msk [tilespmem:v1+s13+$0x0], $0xffff  }
0x1df: {  	_ =	sdelay $0x2  }
0x1e0: {  	[tilespmem:s24+$0xC0] =	vst v3  }
0x1e1: {  	v0 =	vld.idx.msk [tilespmem:v0+s13+$0x0], $0xffff;
	_ =	sdelay $0x2  }
0x1e2: {  	v62 =	vld.idx.msk [tilespmem:v41+s13+$0x0], $0xffff;
	[tilespmem:s24+$0x1D0] =	vst v7  }
0x1e3: {  	[tilespmem:s24+$0x140] =	vst v8;
	v7 =	vld.idx.msk [tilespmem:v47+s13+$0x0], $0xffff  }
0x1e4: {  	v1 =	vld.idx.msk [tilespmem:v43+s13+$0x0], $0xffff;
	[tilespmem:s24+$0xD0] =	vst v0  }
0x1e5: {  	v0 =	vld.idx.msk [tilespmem:v42+s13+$0x0], $0xffff;
	_ =	sdelay $0x1  }
0x1e6: {  	[tilespmem:s24+$0x50] =	vst v62  }
0x1e7: {  	v3 =	vld.idx.msk [tilespmem:v34+s13+$0x0], $0xffff;
	[tilespmem:s24+$0x1E0] =	vst v7  }
0x1e8: {  	[tilespmem:s24+$0x150] =	vst v1;
	v7 =	vld.idx.msk [tilespmem:v38+s13+$0x0], $0xffff  }
0x1e9: {  	v1 =	vld.idx.msk [tilespmem:v39+s13+$0x0], $0xffff;
	[tilespmem:s24+$0xE0] =	vst v0  }
0x1ea: {  	v0 =	vld.idx.msk [tilespmem:v36+s13+$0x0], $0xffff;
	_ =	sdelay $0x1  }
0x1eb: {  	[tilespmem:s24+$0x60] =	vst v3  }
0x1ec: {  	v3 =	vld.idx.msk [tilespmem:v30+s13+$0x0], $0xffff;
	[tilespmem:s24+$0x1F0] =	vst v7  }
0x1ed: {  	[tilespmem:s24+$0x160] =	vst v1;
	v7 =	vld.idx.msk [tilespmem:v37+s13+$0x0], $0xffff  }
0x1ee: {  	v1 =	vld.idx.msk [tilespmem:v35+s13+$0x0], $0xffff;
	[tilespmem:s24+$0xF0] =	vst v0  }
0x1ef: {  	[tilespmem:s10+$0x15100] =	vst v52;
	v40 =	vld.idx.msk [tilespmem:v32+s13+$0x0], $0xffff  }
0x1f0: {  	[tilespmem:s7+$0x15100] =	vst v53  }
0x1f1: {  	s4 =	sor.u32 $0x400, s3;
	[tilespmem:s24+$0x70] =	vst v3  }
0x1f2: {  	[tilespmem:s4+$0x15100] =	vst v7  }
0x1f3: {  	s1 =	sor.u32 $0x400, s31;
	[tilespmem:s24+$0x170] =	vst v1  }
0x1f4: {  	v39 =	vor.u32 v21, v6;
	[tilespmem:s1+$0x15100] =	vst v40  }
0x1f5: {  	v41 =	vor.u32 v27, v39;
	v17 =	vld [tilespmem:$0x1FEF0]  }
0x1f6: {  	v8 =	vor.u32 v26, v39;
	v42 =	vld.idx.msk [tilespmem:v33+s13+$0x0], $0xffff  }
0x1f7: {  	v10 =	vor.u32 v25, v39;
	v9 =	vld.idx.msk [tilespmem:v29+s13+$0x0], $0xffff  }
0x1f8: {  	v11 =	vld.idx.msk [tilespmem:v50+s13+$0x0], $0xffff;
	v0 =	vor.u32 v24, v39;
	_ =	sdelay $0x1  }
0x1f9: {  	s24 =	sor.u32 $0x400, s2;
	v1 =	vld.idx.msk [tilespmem:v41+s13+$0x0], $0xffff;
	v43 =	vor.u32 v17, v31  }
0x1fa: {  	s25 =	sor.u32 $0x400, s0;
	v46 =	vld.idx.msk [tilespmem:v8+s13+$0x0], $0xffff;
	[tilespmem:s24+$0x15100] =	vst v42;
	v45 =	vor.u32 v27, v43  }
0x1fb: {  	[tilespmem:s25+$0x15100] =	vst v9;
	v9 =	vld.idx.msk [tilespmem:v10+s13+$0x0], $0xffff;
	v8 =	vor.u32 v26, v43  }
0x1fc: {  	s26 =	sor.u32 $0x430, s30;
	[tilespmem:s9+$0x15100] =	vst v11;
	v0 =	vld.idx.msk [tilespmem:v0+s13+$0x0], $0xffff;
	v47 =	vor.u32 v25, v43  }
0x1fd: {  	s30 =	sor.u32 $0x410, s31;
	[tilespmem:s26+$0x15100] =	vst v5;
	v2 =	vld.idx.msk [tilespmem:v2+s13+$0x0], $0xffff;
	v6 =	vor.u32 v24, v43  }
0x1fe: {  	s4 =	sor.u32 $0x410, s3;
	v10 =	vld.idx.msk [tilespmem:v49+s13+$0x0], $0xffff;
	[tilespmem:s30+$0x15100] =	vst v1  }
0x1ff: {  	v50 =	vor.u32 v56, v28;
	s7 =	sor.u32 $0x410, s2;
	[tilespmem:s4+$0x15100] =	vst v46;
	v1 =	vld.idx.msk [tilespmem:v45+s13+$0x0], $0xffff  }
0x200: {  	v52 =	vor.u32 v27, v50;
	s9 =	sor.u32 $0x410, s0;
	[tilespmem:s7+$0x15100] =	vst v9;
	v8 =	vld.idx.msk [tilespmem:v8+s13+$0x0], $0xffff  }
0x201: {  	s11 =	sor.u32 $0x420, s23;
	[tilespmem:s9+$0x15100] =	vst v0;
	v9 =	vor.u32 v26, v50;
	v5 =	vld.idx.msk [tilespmem:v47+s13+$0x0], $0xffff  }
0x202: {  	s10 =	sor.u32 $0x430, s28;
	v53 =	vor.u32 v25, v50;
	[tilespmem:s11+$0x15100] =	vst v2;
	v6 =	vld.idx.msk [tilespmem:v6+s13+$0x0], $0xffff  }
0x203: {  	s15 =	sor.u32 $0x420, s31;
	v57 =	vor.u32 v24, v50;
	v60 =	vld.idx.msk [tilespmem:v44+s13+$0x0], $0xffff;
	[tilespmem:s10+$0x15100] =	vst v10  }
0x204: {  	v4 =	vld.idx.msk [tilespmem:v4+s13+$0x0], $0xffff;
	[tilespmem:s15+$0x15100] =	vst v1  }
0x205: {  	[tilespmem:s20+$0x15100] =	vst v8;
	v1 =	vld.idx.msk [tilespmem:v52+s13+$0x0], $0xffff  }
0x206: {  	s18 =	sor.u32 $0x420, s0;
	[tilespmem:s19+$0x15100] =	vst v5;
	v62 =	vld.idx.msk [tilespmem:v9+s13+$0x0], $0xffff  }
0x207: {  	s24 =	sor.u32 $0x430, s23;
	[tilespmem:s18+$0x15100] =	vst v6;
	v0 =	vld.idx.msk [tilespmem:v53+s13+$0x0], $0xffff  }
0x208: {  	[tilespmem:s24+$0x15100] =	vst v60;
	s20 =	sor.u32 $0x430, s29;
	v2 =	vld.idx.msk [tilespmem:v57+s13+$0x0], $0xffff  }
0x209: {  	s25 =	sor.u32 $0x430, s31;
	[tilespmem:s20+$0x15100] =	vst v4  }
0x20a: {  	s26 =	sor.u32 $0x430, s3;
	[tilespmem:s25+$0x15100] =	vst v1  }
0x20b: {  	s28 =	sor.u32 $0x430, s2;
	[tilespmem:s26+$0x15100] =	vst v62  }
0x20c: {  	s29 =	sor.u32 $0x430, s0;
	[tilespmem:s28+$0x15100] =	vst v0  }
0x20d: {  	[tilespmem:s29+$0x15100] =	vst v2  }
0x20e: {  	v11 =	vld [tilespmem:$0x1FF30]  }
0x20f: {  	v10 =	vld [tilespmem:$0x1FF20]  }
0x210: {  	v12 =	vld [tilespmem:$0x1FEB0]  }
0x211: {  	s21 =	sadd.s32 $0x1, s21;
	v13 =	vld [tilespmem:$0x1FEC0]  }
0x212: {  	p0 =	sne.s32 s21, $0x1C;
	v14 =	vld [tilespmem:$0x1FED0]  }
.Ltmp5:
0x213: {  	v15 =	vld [tilespmem:$0x1FF50];
	(pc) =	sbr.rel @p0 .LBB2_2-.Ltmp5, $4  }
0x214: {  	v16 =	vld [tilespmem:$0x1FEE0]  }
0x215: {  	v60 =	vld [tilespmem:$0x1FF90]  }
0x216: {  	s31 =	simm.s32 $0x15100;
	s30 =	sadd.s32 s6, s22;
	v20 =	vld [tilespmem:$0x1FF60]  }
0x217: {  	v22 =	vmov v63;
	v18 =	vmov v56;
	v52 =	vmov v54;
	[hbm4b:s30+s5] =	stream.linear.scatter [tilespmem:s31], [sflag:$0x4], $0x7000, $0x38;
	v9 =	vld [tilespmem:$0x1FF40]  }
0x218: {  	s0 =	simm.s32 $0x3  }
0x219: {  	_ =	swait.ge [sflag:s0], $0x7000  }
0x21a: {  	[sflag:s0] =	ssyncset.done $0x0  }
0x21b: {  	[sflag:s0] =	ssyncadd.s32 $0xFFFF9000  }
0x21c: {  	_ =	swait.ge [sflag:s17], $0x7000  }
0x21d: {  	s1 =	rddreg [dreg:$0x8]  }
0x21e: {  	s31 =	rddreg [dreg:$0x7];
	s1 =	sadd.s32 $0x1, s1  }
0x21f: {  	p0 =	sne.s32 s1, s31  }
.Ltmp6:
0x220: {  	_ = 	snop;
	(pc) =	sbr.rel @p0 .LBB2_1-.Ltmp6, $3  }
0x221: {  	_ =	sdelay $0x1  }
0x222: {  	[sflag:s17] =	ssyncset.done $0x0  }
0x223: {  	[sflag:s17] =	ssyncadd.s32 $0xFFFF9000  }
0x224: {  	_ =	sfence.sel $0x180000  }
0x225: {  	[bflag:$0x0] =	sbarrier.arrive $0xFFFF  }
0x226: {  	_ =	strace $0x90000047  }
0x227: {  	s0 =	stileid.u32;
	[bflag:$0x2] =	sbarrier.arrive $0xFFFF  }
0x228: {  	p0 =	sne.s32 s0, $0x0;
	s0 =	rddreg [dreg:$0x3]  }
0x229: {  	s0 =	sadd.s32 @!p0 $0x100000, s0  }
0x22a: {  	[sflag:s0] =	ssyncadd.tile.s32 @!p0 $0x1;
	_ =	shalt  }
.Lfunc_end2:
_tile_overlayer_lowered:
.L_overlay_start_2:
0x22b: {  	(tag) =	ssettag $0x2  }
0x22c: {  	s0 =	rddreg [dreg:$0x0];
	s2 =	stileid.u32  }
0x22d: {  	s1 =	rddreg [dreg:$0x1];
	p0 =	sne.s32 s2, $0x0  }
0x22e: {  	s3 =	rddreg [dreg:$0x2];
	[bflag:$0x3] =	sbarrier.arrive $0xFFFF;
	s2 =	simm.s32 @!p0 $0x1C05  }
0x22f: {  	[timem:s3], [sflag:s2] =	dma.local @!p0 [hbm:s0], s1  }
0x230: {  	s0 =	simm.s32 @!p0 $0x5  }
0x231: {  	_ =	swait.ge @!p0 [sflag:s0], s1  }
0x232: {  	s1 =	ssub.s32 @!p0 $0x0, s1;
	[sflag:s0] =	ssyncset.done @!p0 $0x0  }
0x233: {  	[sflag:s0] =	ssyncadd.s32 @!p0 s1  }
0x234: {  	[bflag:$0x3] =	sbarrier.arrive $0xFFFF  }
0x235: {  	_ =	shalt  }

</sc_bundles>
